<compile_context>
chip_gen: v7x
topology: tpu7x:2x2x1
jax: 0.10.2.dev20260603
libtpu: 0.0.44.dev20260713+nightly
codegen_flags: <defaults>
</compile_context>

<pallas_src>
import jax
import jax.numpy as jnp
from jax import lax
from jax.experimental import pallas as pl
from jax.experimental.pallas import tpu as pltpu
from jax.experimental.pallas import tpu_sc as plsc

_C0 = 20000
_C1 = 200000

_NC = 2
_NS = 16
_NW = _NC * _NS
_G = 128
_NB = 3


def _sc_gather(idx3d, tab):
    nw, ng, g = idx3d.shape
    bt = nw * ng * g
    base1 = _C0
    base2 = _C0 + (_C1 - _C0) // 4
    npair = ng // (2 * _NB)
    tail = ng - npair * 2 * _NB

    mesh = plsc.VectorSubcoreMesh(core_axis_name="c", subcore_axis_name="s")

    def body(idx_hbm, tab_hbm, gw_hbm, sel_hbm,
             idx_v, widx_v, sel_v, ra, rb, sga, sgb, swa, swb):
        wid = lax.axis_index("s") * _NC + lax.axis_index("c")
        rbase = wid * ng

        pltpu.sync_copy(idx_hbm.at[wid], idx_v)

        def compute_body(j, carry):
            for t in range(g // 16):
                sl = pl.ds(t * 16, 16)
                v = idx_v[j, sl]
                is1 = (v >= _C0) & (v < _C1)
                is2 = v >= _C1
                l1 = v - _C0
                l2 = v - _C1
                widx_v[j, sl] = jnp.where(
                    is1, base1 + lax.shift_right_logical(l1, 2),
                    jnp.where(is2, base2 + lax.shift_right_logical(l2, 4), v))
                sel_v[j, sl] = jnp.where(
                    is1, lax.bitwise_and(l1, 3),
                    jnp.where(is2, 4 + lax.bitwise_and(l2, 15), 20))
            return carry

        lax.fori_loop(0, ng, compute_body, 0)
        pltpu.sync_copy(sel_v, sel_hbm.at[wid])

        def fire_gathers(buf, sem, gbase, n):
            for b in range(n):
                pltpu.async_copy(tab_hbm.at[widx_v.at[gbase + b]],
                                 buf.at[pl.ds(b * g, g)], sem)

        def drain(src_rows, dst_ref_rows, sem):
            pltpu.make_async_copy(src_rows, dst_ref_rows, sem).wait()

        def fire_wb(buf_rows, gbase, nrows, sem):
            pltpu.async_copy(
                buf_rows, gw_hbm.at[pl.ds((rbase + gbase) * g, nrows)], sem)

        fire_gathers(ra, sga, 0, _NB)

        def pair_body(p, carry):
            gb_a = 2 * _NB * p
            gb_b = gb_a + _NB
            drain(gw_hbm.at[pl.ds(0, _NB * g)], ra, sga)
            fire_wb(ra, gb_a, _NB * g, swa)

            @pl.when(p > 0)
            def _():
                drain(rb, gw_hbm.at[pl.ds(0, _NB * g)], swb)
            fire_gathers(rb, sgb, gb_b, _NB)
            drain(gw_hbm.at[pl.ds(0, _NB * g)], rb, sgb)
            fire_wb(rb, gb_b, _NB * g, swb)

            drain(ra, gw_hbm.at[pl.ds(0, _NB * g)], swa)
            @pl.when(p < npair - 1)
            def _():
                fire_gathers(ra, sga, gb_a + 2 * _NB, _NB)
            return carry

        lax.fori_loop(0, npair, pair_body, 0)
        drain(rb, gw_hbm.at[pl.ds(0, _NB * g)], swb)

        if tail:
            gb = npair * 2 * _NB
            fire_gathers(ra, sga, gb, tail)
            drain(gw_hbm.at[pl.ds(0, tail * g)], ra.at[pl.ds(0, tail * g)],
                  sga)
            fire_wb(ra.at[pl.ds(0, tail * g)], gb, tail * g, swa)
            drain(ra.at[pl.ds(0, tail * g)],
                  gw_hbm.at[pl.ds(0, tail * g)], swa)

    fn = pl.kernel(
        body,
        out_type=[
            jax.ShapeDtypeStruct((bt, g), jnp.float32),
            jax.ShapeDtypeStruct((nw, ng, g), jnp.int32),
        ],
        mesh=mesh,
        scratch_types=[
            pltpu.VMEM((ng, g), jnp.int32),
            pltpu.VMEM((ng, g), jnp.int32),
            pltpu.VMEM((ng, g), jnp.int32),
            pltpu.VMEM((_NB * g, g), jnp.float32),
            pltpu.VMEM((_NB * g, g), jnp.float32),
            pltpu.SemaphoreType.DMA,
            pltpu.SemaphoreType.DMA,
            pltpu.SemaphoreType.DMA,
            pltpu.SemaphoreType.DMA,
        ],
    )
    return fn(idx3d, tab)


def _tc_combine(gw, sel, p1, p2):
    bt, d = gw.shape
    r = 8192
    grid = bt // r
    mm = (((1,), (0,)), ((), ()))

    def body(gw_ref, sel_ref, p1_ref, p2_ref, out_ref):
        w = gw_ref[...]
        sel = sel_ref[...]
        c = lax.broadcasted_iota(jnp.int32, (r, d), 1)
        m1 = (sel == lax.shift_right_logical(c, 5)).astype(jnp.float32)
        m2 = (sel == lax.shift_right_logical(c, 3) + 4).astype(jnp.float32)
        m0 = (sel == 20).astype(jnp.float32)
        a = lax.dot_general(w * m1, p1_ref[...], mm,
                            preferred_element_type=jnp.float32)
        b = lax.dot_general(w * m2, p2_ref[...], mm,
                            preferred_element_type=jnp.float32)
        out_ref[...] = w * m0 + a + b

    return pl.pallas_call(
        body,
        grid=(grid,),
        in_specs=[
            pl.BlockSpec((r, d), lambda i: (i, 0)),
            pl.BlockSpec((r, 1), lambda i: (i, 0)),
            pl.BlockSpec(p1.shape, lambda i: (0, 0)),
            pl.BlockSpec(p2.shape, lambda i: (0, 0)),
        ],
        out_specs=pl.BlockSpec((r, d), lambda i: (i, 0)),
        out_shape=jax.ShapeDtypeStruct((bt, d), jnp.float32),
    )(gw, sel, p1, p2)


def kernel(indices, emb0, emb1, emb2, proj1, proj2):
    bs, s = indices.shape
    bt = bs * s
    d = emb0.shape[1]
    idx3d = indices.reshape(_NW, bt // (_NW * _G), _G).astype(jnp.int32)
    tab = jnp.concatenate(
        [emb0.reshape(-1), emb1.reshape(-1), emb2.reshape(-1)]
    ).reshape(-1, d)
    p1 = jnp.tile(proj1.T, (d // proj1.shape[1], 1))
    p2 = jnp.tile(proj2.T, (d // proj2.shape[1], 1))
    gw, sel3 = _sc_gather(idx3d, tab)
    out = _tc_combine(gw, sel3.reshape(bt, 1), p1, p2)
    return out.reshape(bs, s, d)

# --- scband reference (transcript-rebuilt; emitter-appended) ---
"""Pipeline reference for scband-adaptive-embedding-60138132078902 (READ-ONLY COPY).

The authoritative reference and input builder live on the scoring server;
editing this copy changes nothing except your own understanding.
"""

import jax, jax.numpy as jnp
import numpy as np

NUM_EMB = 1000000
D = 128
CUTOFF = [20000, 200000]
PAD = 0


def setup_inputs(seed: int = 0) -> dict:
    key = jax.random.key(seed)
    ks = jax.random.split(key, 6)
    indices = jax.random.randint(ks[0], (1024, 200), 0, NUM_EMB)
    # cluster sizes: 20000, 180000, 800000; dims: 128, 128//4=32, 128//16=8
    emb0 = jax.random.normal(ks[1], (20000, 128), dtype=jnp.float32).at[PAD].set(0.0)
    emb1 = jax.random.normal(ks[2], (180000, 32), dtype=jnp.float32).at[PAD].set(0.0)
    emb2 = jax.random.normal(ks[3], (800000, 8), dtype=jnp.float32).at[PAD].set(0.0)
    # projection Linear(dim, D, bias=False) weights, torch layout (out, in), init std=dim**-0.5
    proj1 = jax.random.normal(ks[4], (128, 32), dtype=jnp.float32) * (32 ** -0.5)
    proj2 = jax.random.normal(ks[5], (128, 8), dtype=jnp.float32) * (8 ** -0.5)
    return {"indices": indices, "emb0": emb0, "emb1": emb1, "emb2": emb2, "proj1": proj1, "proj2": proj2}


def reference(indices, emb0, emb1, emb2, proj1, proj2):
    cut = [0] + CUTOFF + [NUM_EMB]
    tables = [emb0, emb1, emb2]
    projs = [None, proj1, proj2]
    result = jnp.zeros(indices.shape + (D,), dtype=jnp.float32)
    for i in range(3):
        l, r = cut[i], cut[i + 1]
        mask = (indices >= l) & (indices < r)
        local = jnp.clip(indices - l, 0, tables[i].shape[0] - 1)
        e = jnp.take(tables[i], local, axis=0)
        if projs[i] is not None:
            e = e @ projs[i].T
        result = jnp.where(mask[..., None], e, result)
    return result

if __name__ == "__main__":
    import jax
    _d = setup_inputs()
    print(jax.jit(kernel)(*tuple(_d.values())))

</pallas_src>

<mosaic_0001>
#map = affine_map<(d0, d1) -> (0, 0, 0)>
#map1 = affine_map<(d0, d1) -> (0, 0)>
module attributes {stable_mosaic.version = 14 : i64} {
  func.func @body(%arg0: i32, %arg1: i32, %arg2: memref<32x50x128xi32, #tpu.memory_space<hbm>>, %arg3: memref<115000x128xf32, #tpu.memory_space<hbm>>, %arg4: memref<204800x128xf32, #tpu.memory_space<hbm>>, %arg5: memref<32x50x128xi32, #tpu.memory_space<hbm>>, %arg6: memref<50x128xi32, #tpu.memory_space<vmem>>, %arg7: memref<50x128xi32, #tpu.memory_space<vmem>>, %arg8: memref<50x128xi32, #tpu.memory_space<vmem>>, %arg9: memref<384x128xf32, #tpu.memory_space<vmem>>, %arg10: memref<384x128xf32, #tpu.memory_space<vmem>>, %arg11: memref<!tpu.dma_semaphore, #tpu.memory_space<semaphore_mem>>, %arg12: memref<!tpu.dma_semaphore, #tpu.memory_space<semaphore_mem>>, %arg13: memref<!tpu.dma_semaphore, #tpu.memory_space<semaphore_mem>>, %arg14: memref<!tpu.dma_semaphore, #tpu.memory_space<semaphore_mem>>) attributes {dimension_semantics = [#tpu.dimension_semantics<core_parallel>, #tpu.dimension_semantics<subcore_parallel>], iteration_bounds = array<i64: 2, 16>, scalar_prefetch = 0 : i64, scratch_operands = 9 : i64, tpu.core_type = #tpu.core_type<sc_vector_subcore>, window_params = [{transform_indices = #map}, {transform_indices = #map1}, {transform_indices = #map1}, {transform_indices = #map}]} {
    %mul3A = arith.constant 2 : i32
    %mul3A_0 = arith.muli %arg1, %mul3A : i32
    %add3A = arith.addi %mul3A_0, %arg0 : i32
    %mul3A_1 = arith.constant 50 : i32
    %mul3A_2 = arith.muli %add3A, %mul3A_1 : i32
    "tpu.region"() ({
      %run_scoped3A = tpu.sem_alloc : memref<!tpu.dma_semaphore, #tpu.memory_space<semaphore_mem>>
      %dma_start3A_106 = arith.constant 0 : i32
      %dma_start3A_107 = arith.constant 0 : i32
      %dma_start3A_108 = tpu.memref_slice %arg2[%add3A, %dma_start3A_106, %dma_start3A_107] : memref<32x50x128xi32, #tpu.memory_space<hbm>> -> memref<1x50x128xi32, #tpu.memory_space<hbm>>
      %dma_start3A_109 = tpu.memref_squeeze %dma_start3A_108 : memref<1x50x128xi32, #tpu.memory_space<hbm>> -> memref<50x128xi32, #tpu.memory_space<hbm>>
      %dma_start3A_110 = arith.constant 0 : i32
      %dma_start3A_111 = arith.constant 0 : i32
      %dma_start3A_112 = tpu.memref_slice %arg2[%add3A, %dma_start3A_110, %dma_start3A_111] : memref<32x50x128xi32, #tpu.memory_space<hbm>> -> memref<1x50x128xi32, #tpu.memory_space<hbm>>
      %dma_start3A_113 = tpu.memref_squeeze %dma_start3A_112 : memref<1x50x128xi32, #tpu.memory_space<hbm>> -> memref<50x128xi32, #tpu.memory_space<hbm>>
      tpu.enqueue_dma source(%dma_start3A_113 : memref<50x128xi32, #tpu.memory_space<hbm>>) target(%arg6 : memref<50x128xi32, #tpu.memory_space<vmem>>) target_semaphore(%run_scoped3A : memref<!tpu.dma_semaphore, #tpu.memory_space<semaphore_mem>>)
      %dma_wait3A_114 = arith.constant 0 : i32
      %dma_wait3A_115 = arith.constant 0 : i32
      %dma_wait3A_116 = tpu.memref_slice %arg2[%add3A, %dma_wait3A_114, %dma_wait3A_115] : memref<32x50x128xi32, #tpu.memory_space<hbm>> -> memref<1x50x128xi32, #tpu.memory_space<hbm>>
      %dma_wait3A_117 = tpu.memref_squeeze %dma_wait3A_116 : memref<1x50x128xi32, #tpu.memory_space<hbm>> -> memref<50x128xi32, #tpu.memory_space<hbm>>
      %dma_wait3A_118 = arith.constant 0 : i32
      %dma_wait3A_119 = arith.constant 0 : i32
      %dma_wait3A_120 = tpu.memref_slice %arg2[%add3A, %dma_wait3A_118, %dma_wait3A_119] : memref<32x50x128xi32, #tpu.memory_space<hbm>> -> memref<1x50x128xi32, #tpu.memory_space<hbm>>
      %dma_wait3A_121 = tpu.memref_squeeze %dma_wait3A_120 : memref<1x50x128xi32, #tpu.memory_space<hbm>> -> memref<50x128xi32, #tpu.memory_space<hbm>>
      tpu.wait_dma2 semaphore(%run_scoped3A : memref<!tpu.dma_semaphore, #tpu.memory_space<semaphore_mem>>) src(%dma_wait3A_121 : memref<50x128xi32, #tpu.memory_space<hbm>>) dst(%arg6 : memref<50x128xi32, #tpu.memory_space<vmem>>)
      tpu.yield
    }) : () -> ()
    %scan3A = arith.constant 0 : i32
    %scan3A_3 = arith.constant 0 : i32
    %scan3A_4 = arith.constant 50 : i32
    %scan3A_5 = arith.addi %scan3A_3, %scan3A_4 : i32
    %scan3A_6 = arith.constant 1 : i32
    scf.for %scan3A_106 = %scan3A_3 to %scan3A_5 step %scan3A_6  : i32 {
      %get3A = arith.index_cast %scan3A_106 : i32 to index
      %get3A_107 = arith.constant 0 : index
      %get3A_108 = tpu.vector_load %arg6[%get3A, %get3A_107] {strides = array<i32>} : memref<50x128xi32, #tpu.memory_space<vmem>>, vector<1x16xi32>,
      %get3A_109 = vector.shape_cast %get3A_108 : vector<1x16xi32> to vector<16xi32>
      %ge3A = arith.constant 20000 : i32
      %ge3A_110 = vector.broadcast %ge3A : i32 to vector<16xi32>
      %ge3A_111 = arith.cmpi sge, %get3A_109, %ge3A_110 : vector<16xi32>
      %lt3A = arith.constant 200000 : i32
      %lt3A_112 = vector.broadcast %lt3A : i32 to vector<16xi32>
      %lt3A_113 = arith.cmpi slt, %get3A_109, %lt3A_112 : vector<16xi32>
      %and3A = arith.andi %ge3A_111, %lt3A_113 : vector<16xi1>
      %ge3A_114 = arith.constant 200000 : i32
      %ge3A_115 = vector.broadcast %ge3A_114 : i32 to vector<16xi32>
      %ge3A_116 = arith.cmpi sge, %get3A_109, %ge3A_115 : vector<16xi32>
      %sub3A = arith.constant 20000 : i32
      %sub3A_117 = vector.broadcast %sub3A : i32 to vector<16xi32>
      %sub3A_118 = arith.subi %get3A_109, %sub3A_117 : vector<16xi32>
      %sub3A_119 = arith.constant 200000 : i32
      %sub3A_120 = vector.broadcast %sub3A_119 : i32 to vector<16xi32>
      %sub3A_121 = arith.subi %get3A_109, %sub3A_120 : vector<16xi32>
      %shift_right_logical3A = arith.constant 2 : i32
      %shift_right_logical3A_122 = vector.broadcast %shift_right_logical3A : i32 to vector<16xi32>
      %shift_right_logical3A_123 = arith.shrui %sub3A_118, %shift_right_logical3A_122 : vector<16xi32>
      %add3A_124 = arith.constant 20000 : i32
      %add3A_125 = vector.broadcast %add3A_124 : i32 to vector<16xi32>
      %add3A_126 = arith.addi %add3A_125, %shift_right_logical3A_123 : vector<16xi32>
      %shift_right_logical3A_127 = arith.constant 4 : i32
      %shift_right_logical3A_128 = vector.broadcast %shift_right_logical3A_127 : i32 to vector<16xi32>
      %shift_right_logical3A_129 = arith.shrui %sub3A_121, %shift_right_logical3A_128 : vector<16xi32>
      %add3A_130 = arith.constant 65000 : i32
      %add3A_131 = vector.broadcast %add3A_130 : i32 to vector<16xi32>
      %add3A_132 = arith.addi %add3A_131, %shift_right_logical3A_129 : vector<16xi32>
      %select_n3A = arith.select %ge3A_116, %add3A_132, %get3A_109 : vector<16xi1>, vector<16xi32>
      %select_n3A_133 = arith.select %and3A, %add3A_126, %select_n3A : vector<16xi1>, vector<16xi32>
      %swap3A = arith.index_cast %scan3A_106 : i32 to index
      %swap3A_134 = arith.constant 0 : index
      %swap3A_135 = tpu.vector_load %arg7[%swap3A, %swap3A_134] {strides = array<i32>} : memref<50x128xi32, #tpu.memory_space<vmem>>, vector<1x16xi32>,
      %swap3A_136 = vector.shape_cast %swap3A_135 : vector<1x16xi32> to vector<16xi32>
      %swap3A_137 = vector.shape_cast %select_n3A_133 : vector<16xi32> to vector<1x16xi32>
      tpu.vector_store %arg7[%swap3A, %swap3A_134], %swap3A_137 {strides = array<i32>} : memref<50x128xi32, #tpu.memory_space<vmem>>, vector<1x16xi32>,
      %and3A_138 = arith.constant 3 : i32
      %and3A_139 = vector.broadcast %and3A_138 : i32 to vector<16xi32>
      %and3A_140 = arith.andi %sub3A_118, %and3A_139 : vector<16xi32>
      %and3A_141 = arith.constant 15 : i32
      %and3A_142 = vector.broadcast %and3A_141 : i32 to vector<16xi32>
      %and3A_143 = arith.andi %sub3A_121, %and3A_142 : vector<16xi32>
      %add3A_144 = arith.constant 4 : i32
      %add3A_145 = vector.broadcast %add3A_144 : i32 to vector<16xi32>
      %add3A_146 = arith.addi %add3A_145, %and3A_143 : vector<16xi32>
      %jit3A = arith.constant 20 : i32
      %broadcast_in_dim3A = vector.broadcast %jit3A : i32 to vector<16xi32>
      %select_n3A_147 = arith.select %ge3A_116, %add3A_146, %broadcast_in_dim3A : vector<16xi1>, vector<16xi32>
      %select_n3A_148 = arith.select %and3A, %and3A_140, %select_n3A_147 : vector<16xi1>, vector<16xi32>
      %swap3A_149 = arith.index_cast %scan3A_106 : i32 to index
      %swap3A_150 = arith.constant 0 : index
      %swap3A_151 = tpu.vector_load %arg8[%swap3A_149, %swap3A_150] {strides = array<i32>} : memref<50x128xi32, #tpu.memory_space<vmem>>, vector<1x16xi32>,
      %swap3A_152 = vector.shape_cast %swap3A_151 : vector<1x16xi32> to vector<16xi32>
      %swap3A_153 = vector.shape_cast %select_n3A_148 : vector<16xi32> to vector<1x16xi32>
      tpu.vector_store %arg8[%swap3A_149, %swap3A_150], %swap3A_153 {strides = array<i32>} : memref<50x128xi32, #tpu.memory_space<vmem>>, vector<1x16xi32>,
      %get3A_154 = arith.index_cast %scan3A_106 : i32 to index
      %get3A_155 = arith.constant 16 : index
      %get3A_156 = tpu.vector_load %arg6[%get3A_154, %get3A_155] {strides = array<i32>} : memref<50x128xi32, #tpu.memory_space<vmem>>, vector<1x16xi32>,
      %get3A_157 = vector.shape_cast %get3A_156 : vector<1x16xi32> to vector<16xi32>
      %ge3A_158 = arith.constant 20000 : i32
      %ge3A_159 = vector.broadcast %ge3A_158 : i32 to vector<16xi32>
      %ge3A_160 = arith.cmpi sge, %get3A_157, %ge3A_159 : vector<16xi32>
      %lt3A_161 = arith.constant 200000 : i32
      %lt3A_162 = vector.broadcast %lt3A_161 : i32 to vector<16xi32>
      %lt3A_163 = arith.cmpi slt, %get3A_157, %lt3A_162 : vector<16xi32>
      %and3A_164 = arith.andi %ge3A_160, %lt3A_163 : vector<16xi1>
      %ge3A_165 = arith.constant 200000 : i32
      %ge3A_166 = vector.broadcast %ge3A_165 : i32 to vector<16xi32>
      %ge3A_167 = arith.cmpi sge, %get3A_157, %ge3A_166 : vector<16xi32>
      %sub3A_168 = arith.constant 20000 : i32
      %sub3A_169 = vector.broadcast %sub3A_168 : i32 to vector<16xi32>
      %sub3A_170 = arith.subi %get3A_157, %sub3A_169 : vector<16xi32>
      %sub3A_171 = arith.constant 200000 : i32
      %sub3A_172 = vector.broadcast %sub3A_171 : i32 to vector<16xi32>
      %sub3A_173 = arith.subi %get3A_157, %sub3A_172 : vector<16xi32>
      %shift_right_logical3A_174 = arith.constant 2 : i32
      %shift_right_logical3A_175 = vector.broadcast %shift_right_logical3A_174 : i32 to vector<16xi32>
      %shift_right_logical3A_176 = arith.shrui %sub3A_170, %shift_right_logical3A_175 : vector<16xi32>
      %add3A_177 = arith.constant 20000 : i32
      %add3A_178 = vector.broadcast %add3A_177 : i32 to vector<16xi32>
      %add3A_179 = arith.addi %add3A_178, %shift_right_logical3A_176 : vector<16xi32>
      %shift_right_logical3A_180 = arith.constant 4 : i32
      %shift_right_logical3A_181 = vector.broadcast %shift_right_logical3A_180 : i32 to vector<16xi32>
      %shift_right_logical3A_182 = arith.shrui %sub3A_173, %shift_right_logical3A_181 : vector<16xi32>
      %add3A_183 = arith.constant 65000 : i32
      %add3A_184 = vector.broadcast %add3A_183 : i32 to vector<16xi32>
      %add3A_185 = arith.addi %add3A_184, %shift_right_logical3A_182 : vector<16xi32>
      %select_n3A_186 = arith.select %ge3A_167, %add3A_185, %get3A_157 : vector<16xi1>, vector<16xi32>
      %select_n3A_187 = arith.select %and3A_164, %add3A_179, %select_n3A_186 : vector<16xi1>, vector<16xi32>
      %swap3A_188 = arith.index_cast %scan3A_106 : i32 to index
      %swap3A_189 = arith.constant 16 : index
      %swap3A_190 = tpu.vector_load %arg7[%swap3A_188, %swap3A_189] {strides = array<i32>} : memref<50x128xi32, #tpu.memory_space<vmem>>, vector<1x16xi32>,
      %swap3A_191 = vector.shape_cast %swap3A_190 : vector<1x16xi32> to vector<16xi32>
      %swap3A_192 = vector.shape_cast %select_n3A_187 : vector<16xi32> to vector<1x16xi32>
      tpu.vector_store %arg7[%swap3A_188, %swap3A_189], %swap3A_192 {strides = array<i32>} : memref<50x128xi32, #tpu.memory_space<vmem>>, vector<1x16xi32>,
      %and3A_193 = arith.constant 3 : i32
      %and3A_194 = vector.broadcast %and3A_193 : i32 to vector<16xi32>
      %and3A_195 = arith.andi %sub3A_170, %and3A_194 : vector<16xi32>
      %and3A_196 = arith.constant 15 : i32
      %and3A_197 = vector.broadcast %and3A_196 : i32 to vector<16xi32>
      %and3A_198 = arith.andi %sub3A_173, %and3A_197 : vector<16xi32>
      %add3A_199 = arith.constant 4 : i32
      %add3A_200 = vector.broadcast %add3A_199 : i32 to vector<16xi32>
      %add3A_201 = arith.addi %add3A_200, %and3A_198 : vector<16xi32>
      %jit3A_202 = arith.constant 20 : i32
      %broadcast_in_dim3A_203 = vector.broadcast %jit3A_202 : i32 to vector<16xi32>
      %select_n3A_204 = arith.select %ge3A_167, %add3A_201, %broadcast_in_dim3A_203 : vector<16xi1>, vector<16xi32>
      %select_n3A_205 = arith.select %and3A_164, %and3A_195, %select_n3A_204 : vector<16xi1>, vector<16xi32>
      %swap3A_206 = arith.index_cast %scan3A_106 : i32 to index
      %swap3A_207 = arith.constant 16 : index
      %swap3A_208 = tpu.vector_load %arg8[%swap3A_206, %swap3A_207] {strides = array<i32>} : memref<50x128xi32, #tpu.memory_space<vmem>>, vector<1x16xi32>,
      %swap3A_209 = vector.shape_cast %swap3A_208 : vector<1x16xi32> to vector<16xi32>
      %swap3A_210 = vector.shape_cast %select_n3A_205 : vector<16xi32> to vector<1x16xi32>
      tpu.vector_store %arg8[%swap3A_206, %swap3A_207], %swap3A_210 {strides = array<i32>} : memref<50x128xi32, #tpu.memory_space<vmem>>, vector<1x16xi32>,
      %get3A_211 = arith.index_cast %scan3A_106 : i32 to index
      %get3A_212 = arith.constant 32 : index
      %get3A_213 = tpu.vector_load %arg6[%get3A_211, %get3A_212] {strides = array<i32>} : memref<50x128xi32, #tpu.memory_space<vmem>>, vector<1x16xi32>,
      %get3A_214 = vector.shape_cast %get3A_213 : vector<1x16xi32> to vector<16xi32>
      %ge3A_215 = arith.constant 20000 : i32
      %ge3A_216 = vector.broadcast %ge3A_215 : i32 to vector<16xi32>
      %ge3A_217 = arith.cmpi sge, %get3A_214, %ge3A_216 : vector<16xi32>
      %lt3A_218 = arith.constant 200000 : i32
      %lt3A_219 = vector.broadcast %lt3A_218 : i32 to vector<16xi32>
      %lt3A_220 = arith.cmpi slt, %get3A_214, %lt3A_219 : vector<16xi32>
      %and3A_221 = arith.andi %ge3A_217, %lt3A_220 : vector<16xi1>
      %ge3A_222 = arith.constant 200000 : i32
      %ge3A_223 = vector.broadcast %ge3A_222 : i32 to vector<16xi32>
      %ge3A_224 = arith.cmpi sge, %get3A_214, %ge3A_223 : vector<16xi32>
      %sub3A_225 = arith.constant 20000 : i32
      %sub3A_226 = vector.broadcast %sub3A_225 : i32 to vector<16xi32>
      %sub3A_227 = arith.subi %get3A_214, %sub3A_226 : vector<16xi32>
      %sub3A_228 = arith.constant 200000 : i32
      %sub3A_229 = vector.broadcast %sub3A_228 : i32 to vector<16xi32>
      %sub3A_230 = arith.subi %get3A_214, %sub3A_229 : vector<16xi32>
      %shift_right_logical3A_231 = arith.constant 2 : i32
      %shift_right_logical3A_232 = vector.broadcast %shift_right_logical3A_231 : i32 to vector<16xi32>
      %shift_right_logical3A_233 = arith.shrui %sub3A_227, %shift_right_logical3A_232 : vector<16xi32>
      %add3A_234 = arith.constant 20000 : i32
      %add3A_235 = vector.broadcast %add3A_234 : i32 to vector<16xi32>
      %add3A_236 = arith.addi %add3A_235, %shift_right_logical3A_233 : vector<16xi32>
      %shift_right_logical3A_237 = arith.constant 4 : i32
      %shift_right_logical3A_238 = vector.broadcast %shift_right_logical3A_237 : i32 to vector<16xi32>
      %shift_right_logical3A_239 = arith.shrui %sub3A_230, %shift_right_logical3A_238 : vector<16xi32>
      %add3A_240 = arith.constant 65000 : i32
      %add3A_241 = vector.broadcast %add3A_240 : i32 to vector<16xi32>
      %add3A_242 = arith.addi %add3A_241, %shift_right_logical3A_239 : vector<16xi32>
      %select_n3A_243 = arith.select %ge3A_224, %add3A_242, %get3A_214 : vector<16xi1>, vector<16xi32>
      %select_n3A_244 = arith.select %and3A_221, %add3A_236, %select_n3A_243 : vector<16xi1>, vector<16xi32>
      %swap3A_245 = arith.index_cast %scan3A_106 : i32 to index
      %swap3A_246 = arith.constant 32 : index
      %swap3A_247 = tpu.vector_load %arg7[%swap3A_245, %swap3A_246] {strides = array<i32>} : memref<50x128xi32, #tpu.memory_space<vmem>>, vector<1x16xi32>,
      %swap3A_248 = vector.shape_cast %swap3A_247 : vector<1x16xi32> to vector<16xi32>
      %swap3A_249 = vector.shape_cast %select_n3A_244 : vector<16xi32> to vector<1x16xi32>
      tpu.vector_store %arg7[%swap3A_245, %swap3A_246], %swap3A_249 {strides = array<i32>} : memref<50x128xi32, #tpu.memory_space<vmem>>, vector<1x16xi32>,
      %and3A_250 = arith.constant 3 : i32
      %and3A_251 = vector.broadcast %and3A_250 : i32 to vector<16xi32>
      %and3A_252 = arith.andi %sub3A_227, %and3A_251 : vector<16xi32>
      %and3A_253 = arith.constant 15 : i32
      %and3A_254 = vector.broadcast %and3A_253 : i32 to vector<16xi32>
      %and3A_255 = arith.andi %sub3A_230, %and3A_254 : vector<16xi32>
      %add3A_256 = arith.constant 4 : i32
      %add3A_257 = vector.broadcast %add3A_256 : i32 to vector<16xi32>
      %add3A_258 = arith.addi %add3A_257, %and3A_255 : vector<16xi32>
      %jit3A_259 = arith.constant 20 : i32
      %broadcast_in_dim3A_260 = vector.broadcast %jit3A_259 : i32 to vector<16xi32>
      %select_n3A_261 = arith.select %ge3A_224, %add3A_258, %broadcast_in_dim3A_260 : vector<16xi1>, vector<16xi32>
      %select_n3A_262 = arith.select %and3A_221, %and3A_252, %select_n3A_261 : vector<16xi1>, vector<16xi32>
      %swap3A_263 = arith.index_cast %scan3A_106 : i32 to index
      %swap3A_264 = arith.constant 32 : index
      %swap3A_265 = tpu.vector_load %arg8[%swap3A_263, %swap3A_264] {strides = array<i32>} : memref<50x128xi32, #tpu.memory_space<vmem>>, vector<1x16xi32>,
      %swap3A_266 = vector.shape_cast %swap3A_265 : vector<1x16xi32> to vector<16xi32>
      %swap3A_267 = vector.shape_cast %select_n3A_262 : vector<16xi32> to vector<1x16xi32>
      tpu.vector_store %arg8[%swap3A_263, %swap3A_264], %swap3A_267 {strides = array<i32>} : memref<50x128xi32, #tpu.memory_space<vmem>>, vector<1x16xi32>,
      %get3A_268 = arith.index_cast %scan3A_106 : i32 to index
      %get3A_269 = arith.constant 48 : index
      %get3A_270 = tpu.vector_load %arg6[%get3A_268, %get3A_269] {strides = array<i32>} : memref<50x128xi32, #tpu.memory_space<vmem>>, vector<1x16xi32>,
      %get3A_271 = vector.shape_cast %get3A_270 : vector<1x16xi32> to vector<16xi32>
      %ge3A_272 = arith.constant 20000 : i32
      %ge3A_273 = vector.broadcast %ge3A_272 : i32 to vector<16xi32>
      %ge3A_274 = arith.cmpi sge, %get3A_271, %ge3A_273 : vector<16xi32>
      %lt3A_275 = arith.constant 200000 : i32
      %lt3A_276 = vector.broadcast %lt3A_275 : i32 to vector<16xi32>
      %lt3A_277 = arith.cmpi slt, %get3A_271, %lt3A_276 : vector<16xi32>
      %and3A_278 = arith.andi %ge3A_274, %lt3A_277 : vector<16xi1>
      %ge3A_279 = arith.constant 200000 : i32
      %ge3A_280 = vector.broadcast %ge3A_279 : i32 to vector<16xi32>
      %ge3A_281 = arith.cmpi sge, %get3A_271, %ge3A_280 : vector<16xi32>
      %sub3A_282 = arith.constant 20000 : i32
      %sub3A_283 = vector.broadcast %sub3A_282 : i32 to vector<16xi32>
      %sub3A_284 = arith.subi %get3A_271, %sub3A_283 : vector<16xi32>
      %sub3A_285 = arith.constant 200000 : i32
      %sub3A_286 = vector.broadcast %sub3A_285 : i32 to vector<16xi32>
      %sub3A_287 = arith.subi %get3A_271, %sub3A_286 : vector<16xi32>
      %shift_right_logical3A_288 = arith.constant 2 : i32
      %shift_right_logical3A_289 = vector.broadcast %shift_right_logical3A_288 : i32 to vector<16xi32>
      %shift_right_logical3A_290 = arith.shrui %sub3A_284, %shift_right_logical3A_289 : vector<16xi32>
      %add3A_291 = arith.constant 20000 : i32
      %add3A_292 = vector.broadcast %add3A_291 : i32 to vector<16xi32>
      %add3A_293 = arith.addi %add3A_292, %shift_right_logical3A_290 : vector<16xi32>
      %shift_right_logical3A_294 = arith.constant 4 : i32
      %shift_right_logical3A_295 = vector.broadcast %shift_right_logical3A_294 : i32 to vector<16xi32>
      %shift_right_logical3A_296 = arith.shrui %sub3A_287, %shift_right_logical3A_295 : vector<16xi32>
      %add3A_297 = arith.constant 65000 : i32
      %add3A_298 = vector.broadcast %add3A_297 : i32 to vector<16xi32>
      %add3A_299 = arith.addi %add3A_298, %shift_right_logical3A_296 : vector<16xi32>
      %select_n3A_300 = arith.select %ge3A_281, %add3A_299, %get3A_271 : vector<16xi1>, vector<16xi32>
      %select_n3A_301 = arith.select %and3A_278, %add3A_293, %select_n3A_300 : vector<16xi1>, vector<16xi32>
      %swap3A_302 = arith.index_cast %scan3A_106 : i32 to index
      %swap3A_303 = arith.constant 48 : index
      %swap3A_304 = tpu.vector_load %arg7[%swap3A_302, %swap3A_303] {strides = array<i32>} : memref<50x128xi32, #tpu.memory_space<vmem>>, vector<1x16xi32>,
      %swap3A_305 = vector.shape_cast %swap3A_304 : vector<1x16xi32> to vector<16xi32>
      %swap3A_306 = vector.shape_cast %select_n3A_301 : vector<16xi32> to vector<1x16xi32>
      tpu.vector_store %arg7[%swap3A_302, %swap3A_303], %swap3A_306 {strides = array<i32>} : memref<50x128xi32, #tpu.memory_space<vmem>>, vector<1x16xi32>,
      %and3A_307 = arith.constant 3 : i32
      %and3A_308 = vector.broadcast %and3A_307 : i32 to vector<16xi32>
      %and3A_309 = arith.andi %sub3A_284, %and3A_308 : vector<16xi32>
      %and3A_310 = arith.constant 15 : i32
      %and3A_311 = vector.broadcast %and3A_310 : i32 to vector<16xi32>
      %and3A_312 = arith.andi %sub3A_287, %and3A_311 : vector<16xi32>
      %add3A_313 = arith.constant 4 : i32
      %add3A_314 = vector.broadcast %add3A_313 : i32 to vector<16xi32>
      %add3A_315 = arith.addi %add3A_314, %and3A_312 : vector<16xi32>
      %jit3A_316 = arith.constant 20 : i32
      %broadcast_in_dim3A_317 = vector.broadcast %jit3A_316 : i32 to vector<16xi32>
      %select_n3A_318 = arith.select %ge3A_281, %add3A_315, %broadcast_in_dim3A_317 : vector<16xi1>, vector<16xi32>
      %select_n3A_319 = arith.select %and3A_278, %and3A_309, %select_n3A_318 : vector<16xi1>, vector<16xi32>
      %swap3A_320 = arith.index_cast %scan3A_106 : i32 to index
      %swap3A_321 = arith.constant 48 : index
      %swap3A_322 = tpu.vector_load %arg8[%swap3A_320, %swap3A_321] {strides = array<i32>} : memref<50x128xi32, #tpu.memory_space<vmem>>, vector<1x16xi32>,
      %swap3A_323 = vector.shape_cast %swap3A_322 : vector<1x16xi32> to vector<16xi32>
      %swap3A_324 = vector.shape_cast %select_n3A_319 : vector<16xi32> to vector<1x16xi32>
      tpu.vector_store %arg8[%swap3A_320, %swap3A_321], %swap3A_324 {strides = array<i32>} : memref<50x128xi32, #tpu.memory_space<vmem>>, vector<1x16xi32>,
      %get3A_325 = arith.index_cast %scan3A_106 : i32 to index
      %get3A_326 = arith.constant 64 : index
      %get3A_327 = tpu.vector_load %arg6[%get3A_325, %get3A_326] {strides = array<i32>} : memref<50x128xi32, #tpu.memory_space<vmem>>, vector<1x16xi32>,
      %get3A_328 = vector.shape_cast %get3A_327 : vector<1x16xi32> to vector<16xi32>
      %ge3A_329 = arith.constant 20000 : i32
      %ge3A_330 = vector.broadcast %ge3A_329 : i32 to vector<16xi32>
      %ge3A_331 = arith.cmpi sge, %get3A_328, %ge3A_330 : vector<16xi32>
      %lt3A_332 = arith.constant 200000 : i32
      %lt3A_333 = vector.broadcast %lt3A_332 : i32 to vector<16xi32>
      %lt3A_334 = arith.cmpi slt, %get3A_328, %lt3A_333 : vector<16xi32>
      %and3A_335 = arith.andi %ge3A_331, %lt3A_334 : vector<16xi1>
      %ge3A_336 = arith.constant 200000 : i32
      %ge3A_337 = vector.broadcast %ge3A_336 : i32 to vector<16xi32>
      %ge3A_338 = arith.cmpi sge, %get3A_328, %ge3A_337 : vector<16xi32>
      %sub3A_339 = arith.constant 20000 : i32
      %sub3A_340 = vector.broadcast %sub3A_339 : i32 to vector<16xi32>
      %sub3A_341 = arith.subi %get3A_328, %sub3A_340 : vector<16xi32>
      %sub3A_342 = arith.constant 200000 : i32
      %sub3A_343 = vector.broadcast %sub3A_342 : i32 to vector<16xi32>
      %sub3A_344 = arith.subi %get3A_328, %sub3A_343 : vector<16xi32>
      %shift_right_logical3A_345 = arith.constant 2 : i32
      %shift_right_logical3A_346 = vector.broadcast %shift_right_logical3A_345 : i32 to vector<16xi32>
      %shift_right_logical3A_347 = arith.shrui %sub3A_341, %shift_right_logical3A_346 : vector<16xi32>
      %add3A_348 = arith.constant 20000 : i32
      %add3A_349 = vector.broadcast %add3A_348 : i32 to vector<16xi32>
      %add3A_350 = arith.addi %add3A_349, %shift_right_logical3A_347 : vector<16xi32>
      %shift_right_logical3A_351 = arith.constant 4 : i32
      %shift_right_logical3A_352 = vector.broadcast %shift_right_logical3A_351 : i32 to vector<16xi32>
      %shift_right_logical3A_353 = arith.shrui %sub3A_344, %shift_right_logical3A_352 : vector<16xi32>
      %add3A_354 = arith.constant 65000 : i32
      %add3A_355 = vector.broadcast %add3A_354 : i32 to vector<16xi32>
      %add3A_356 = arith.addi %add3A_355, %shift_right_logical3A_353 : vector<16xi32>
      %select_n3A_357 = arith.select %ge3A_338, %add3A_356, %get3A_328 : vector<16xi1>, vector<16xi32>
      %select_n3A_358 = arith.select %and3A_335, %add3A_350, %select_n3A_357 : vector<16xi1>, vector<16xi32>
      %swap3A_359 = arith.index_cast %scan3A_106 : i32 to index
      %swap3A_360 = arith.constant 64 : index
      %swap3A_361 = tpu.vector_load %arg7[%swap3A_359, %swap3A_360] {strides = array<i32>} : memref<50x128xi32, #tpu.memory_space<vmem>>, vector<1x16xi32>,
      %swap3A_362 = vector.shape_cast %swap3A_361 : vector<1x16xi32> to vector<16xi32>
      %swap3A_363 = vector.shape_cast %select_n3A_358 : vector<16xi32> to vector<1x16xi32>
      tpu.vector_store %arg7[%swap3A_359, %swap3A_360], %swap3A_363 {strides = array<i32>} : memref<50x128xi32, #tpu.memory_space<vmem>>, vector<1x16xi32>,
      %and3A_364 = arith.constant 3 : i32
      %and3A_365 = vector.broadcast %and3A_364 : i32 to vector<16xi32>
      %and3A_366 = arith.andi %sub3A_341, %and3A_365 : vector<16xi32>
      %and3A_367 = arith.constant 15 : i32
      %and3A_368 = vector.broadcast %and3A_367 : i32 to vector<16xi32>
      %and3A_369 = arith.andi %sub3A_344, %and3A_368 : vector<16xi32>
      %add3A_370 = arith.constant 4 : i32
      %add3A_371 = vector.broadcast %add3A_370 : i32 to vector<16xi32>
      %add3A_372 = arith.addi %add3A_371, %and3A_369 : vector<16xi32>
      %jit3A_373 = arith.constant 20 : i32
      %broadcast_in_dim3A_374 = vector.broadcast %jit3A_373 : i32 to vector<16xi32>
      %select_n3A_375 = arith.select %ge3A_338, %add3A_372, %broadcast_in_dim3A_374 : vector<16xi1>, vector<16xi32>
      %select_n3A_376 = arith.select %and3A_335, %and3A_366, %select_n3A_375 : vector<16xi1>, vector<16xi32>
      %swap3A_377 = arith.index_cast %scan3A_106 : i32 to index
      %swap3A_378 = arith.constant 64 : index
      %swap3A_379 = tpu.vector_load %arg8[%swap3A_377, %swap3A_378] {strides = array<i32>} : memref<50x128xi32, #tpu.memory_space<vmem>>, vector<1x16xi32>,
      %swap3A_380 = vector.shape_cast %swap3A_379 : vector<1x16xi32> to vector<16xi32>
      %swap3A_381 = vector.shape_cast %select_n3A_376 : vector<16xi32> to vector<1x16xi32>
      tpu.vector_store %arg8[%swap3A_377, %swap3A_378], %swap3A_381 {strides = array<i32>} : memref<50x128xi32, #tpu.memory_space<vmem>>, vector<1x16xi32>,
      %get3A_382 = arith.index_cast %scan3A_106 : i32 to index
      %get3A_383 = arith.constant 80 : index
      %get3A_384 = tpu.vector_load %arg6[%get3A_382, %get3A_383] {strides = array<i32>} : memref<50x128xi32, #tpu.memory_space<vmem>>, vector<1x16xi32>,
      %get3A_385 = vector.shape_cast %get3A_384 : vector<1x16xi32> to vector<16xi32>
      %ge3A_386 = arith.constant 20000 : i32
      %ge3A_387 = vector.broadcast %ge3A_386 : i32 to vector<16xi32>
      %ge3A_388 = arith.cmpi sge, %get3A_385, %ge3A_387 : vector<16xi32>
      %lt3A_389 = arith.constant 200000 : i32
      %lt3A_390 = vector.broadcast %lt3A_389 : i32 to vector<16xi32>
      %lt3A_391 = arith.cmpi slt, %get3A_385, %lt3A_390 : vector<16xi32>
      %and3A_392 = arith.andi %ge3A_388, %lt3A_391 : vector<16xi1>
      %ge3A_393 = arith.constant 200000 : i32
      %ge3A_394 = vector.broadcast %ge3A_393 : i32 to vector<16xi32>
      %ge3A_395 = arith.cmpi sge, %get3A_385, %ge3A_394 : vector<16xi32>
      %sub3A_396 = arith.constant 20000 : i32
      %sub3A_397 = vector.broadcast %sub3A_396 : i32 to vector<16xi32>
      %sub3A_398 = arith.subi %get3A_385, %sub3A_397 : vector<16xi32>
      %sub3A_399 = arith.constant 200000 : i32
      %sub3A_400 = vector.broadcast %sub3A_399 : i32 to vector<16xi32>
      %sub3A_401 = arith.subi %get3A_385, %sub3A_400 : vector<16xi32>
      %shift_right_logical3A_402 = arith.constant 2 : i32
      %shift_right_logical3A_403 = vector.broadcast %shift_right_logical3A_402 : i32 to vector<16xi32>
      %shift_right_logical3A_404 = arith.shrui %sub3A_398, %shift_right_logical3A_403 : vector<16xi32>
      %add3A_405 = arith.constant 20000 : i32
      %add3A_406 = vector.broadcast %add3A_405 : i32 to vector<16xi32>
      %add3A_407 = arith.addi %add3A_406, %shift_right_logical3A_404 : vector<16xi32>
      %shift_right_logical3A_408 = arith.constant 4 : i32
      %shift_right_logical3A_409 = vector.broadcast %shift_right_logical3A_408 : i32 to vector<16xi32>
      %shift_right_logical3A_410 = arith.shrui %sub3A_401, %shift_right_logical3A_409 : vector<16xi32>
      %add3A_411 = arith.constant 65000 : i32
      %add3A_412 = vector.broadcast %add3A_411 : i32 to vector<16xi32>
      %add3A_413 = arith.addi %add3A_412, %shift_right_logical3A_410 : vector<16xi32>
      %select_n3A_414 = arith.select %ge3A_395, %add3A_413, %get3A_385 : vector<16xi1>, vector<16xi32>
      %select_n3A_415 = arith.select %and3A_392, %add3A_407, %select_n3A_414 : vector<16xi1>, vector<16xi32>
      %swap3A_416 = arith.index_cast %scan3A_106 : i32 to index
      %swap3A_417 = arith.constant 80 : index
      %swap3A_418 = tpu.vector_load %arg7[%swap3A_416, %swap3A_417] {strides = array<i32>} : memref<50x128xi32, #tpu.memory_space<vmem>>, vector<1x16xi32>,
      %swap3A_419 = vector.shape_cast %swap3A_418 : vector<1x16xi32> to vector<16xi32>
      %swap3A_420 = vector.shape_cast %select_n3A_415 : vector<16xi32> to vector<1x16xi32>
      tpu.vector_store %arg7[%swap3A_416, %swap3A_417], %swap3A_420 {strides = array<i32>} : memref<50x128xi32, #tpu.memory_space<vmem>>, vector<1x16xi32>,
      %and3A_421 = arith.constant 3 : i32
      %and3A_422 = vector.broadcast %and3A_421 : i32 to vector<16xi32>
      %and3A_423 = arith.andi %sub3A_398, %and3A_422 : vector<16xi32>
      %and3A_424 = arith.constant 15 : i32
      %and3A_425 = vector.broadcast %and3A_424 : i32 to vector<16xi32>
      %and3A_426 = arith.andi %sub3A_401, %and3A_425 : vector<16xi32>
      %add3A_427 = arith.constant 4 : i32
      %add3A_428 = vector.broadcast %add3A_427 : i32 to vector<16xi32>
      %add3A_429 = arith.addi %add3A_428, %and3A_426 : vector<16xi32>
      %jit3A_430 = arith.constant 20 : i32
      %broadcast_in_dim3A_431 = vector.broadcast %jit3A_430 : i32 to vector<16xi32>
      %select_n3A_432 = arith.select %ge3A_395, %add3A_429, %broadcast_in_dim3A_431 : vector<16xi1>, vector<16xi32>
      %select_n3A_433 = arith.select %and3A_392, %and3A_423, %select_n3A_432 : vector<16xi1>, vector<16xi32>
      %swap3A_434 = arith.index_cast %scan3A_106 : i32 to index
      %swap3A_435 = arith.constant 80 : index
      %swap3A_436 = tpu.vector_load %arg8[%swap3A_434, %swap3A_435] {strides = array<i32>} : memref<50x128xi32, #tpu.memory_space<vmem>>, vector<1x16xi32>,
      %swap3A_437 = vector.shape_cast %swap3A_436 : vector<1x16xi32> to vector<16xi32>
      %swap3A_438 = vector.shape_cast %select_n3A_433 : vector<16xi32> to vector<1x16xi32>
      tpu.vector_store %arg8[%swap3A_434, %swap3A_435], %swap3A_438 {strides = array<i32>} : memref<50x128xi32, #tpu.memory_space<vmem>>, vector<1x16xi32>,
      %get3A_439 = arith.index_cast %scan3A_106 : i32 to index
      %get3A_440 = arith.constant 96 : index
      %get3A_441 = tpu.vector_load %arg6[%get3A_439, %get3A_440] {strides = array<i32>} : memref<50x128xi32, #tpu.memory_space<vmem>>, vector<1x16xi32>,
      %get3A_442 = vector.shape_cast %get3A_441 : vector<1x16xi32> to vector<16xi32>
      %ge3A_443 = arith.constant 20000 : i32
      %ge3A_444 = vector.broadcast %ge3A_443 : i32 to vector<16xi32>
      %ge3A_445 = arith.cmpi sge, %get3A_442, %ge3A_444 : vector<16xi32>
      %lt3A_446 = arith.constant 200000 : i32
      %lt3A_447 = vector.broadcast %lt3A_446 : i32 to vector<16xi32>
      %lt3A_448 = arith.cmpi slt, %get3A_442, %lt3A_447 : vector<16xi32>
      %and3A_449 = arith.andi %ge3A_445, %lt3A_448 : vector<16xi1>
      %ge3A_450 = arith.constant 200000 : i32
      %ge3A_451 = vector.broadcast %ge3A_450 : i32 to vector<16xi32>
      %ge3A_452 = arith.cmpi sge, %get3A_442, %ge3A_451 : vector<16xi32>
      %sub3A_453 = arith.constant 20000 : i32
      %sub3A_454 = vector.broadcast %sub3A_453 : i32 to vector<16xi32>
      %sub3A_455 = arith.subi %get3A_442, %sub3A_454 : vector<16xi32>
      %sub3A_456 = arith.constant 200000 : i32
      %sub3A_457 = vector.broadcast %sub3A_456 : i32 to vector<16xi32>
      %sub3A_458 = arith.subi %get3A_442, %sub3A_457 : vector<16xi32>
      %shift_right_logical3A_459 = arith.constant 2 : i32
      %shift_right_logical3A_460 = vector.broadcast %shift_right_logical3A_459 : i32 to vector<16xi32>
      %shift_right_logical3A_461 = arith.shrui %sub3A_455, %shift_right_logical3A_460 : vector<16xi32>
      %add3A_462 = arith.constant 20000 : i32
      %add3A_463 = vector.broadcast %add3A_462 : i32 to vector<16xi32>
      %add3A_464 = arith.addi %add3A_463, %shift_right_logical3A_461 : vector<16xi32>
      %shift_right_logical3A_465 = arith.constant 4 : i32
      %shift_right_logical3A_466 = vector.broadcast %shift_right_logical3A_465 : i32 to vector<16xi32>
      %shift_right_logical3A_467 = arith.shrui %sub3A_458, %shift_right_logical3A_466 : vector<16xi32>
      %add3A_468 = arith.constant 65000 : i32
      %add3A_469 = vector.broadcast %add3A_468 : i32 to vector<16xi32>
      %add3A_470 = arith.addi %add3A_469, %shift_right_logical3A_467 : vector<16xi32>
      %select_n3A_471 = arith.select %ge3A_452, %add3A_470, %get3A_442 : vector<16xi1>, vector<16xi32>
      %select_n3A_472 = arith.select %and3A_449, %add3A_464, %select_n3A_471 : vector<16xi1>, vector<16xi32>
      %swap3A_473 = arith.index_cast %scan3A_106 : i32 to index
      %swap3A_474 = arith.constant 96 : index
      %swap3A_475 = tpu.vector_load %arg7[%swap3A_473, %swap3A_474] {strides = array<i32>} : memref<50x128xi32, #tpu.memory_space<vmem>>, vector<1x16xi32>,
      %swap3A_476 = vector.shape_cast %swap3A_475 : vector<1x16xi32> to vector<16xi32>
      %swap3A_477 = vector.shape_cast %select_n3A_472 : vector<16xi32> to vector<1x16xi32>
      tpu.vector_store %arg7[%swap3A_473, %swap3A_474], %swap3A_477 {strides = array<i32>} : memref<50x128xi32, #tpu.memory_space<vmem>>, vector<1x16xi32>,
      %and3A_478 = arith.constant 3 : i32
      %and3A_479 = vector.broadcast %and3A_478 : i32 to vector<16xi32>
      %and3A_480 = arith.andi %sub3A_455, %and3A_479 : vector<16xi32>
      %and3A_481 = arith.constant 15 : i32
      %and3A_482 = vector.broadcast %and3A_481 : i32 to vector<16xi32>
      %and3A_483 = arith.andi %sub3A_458, %and3A_482 : vector<16xi32>
      %add3A_484 = arith.constant 4 : i32
      %add3A_485 = vector.broadcast %add3A_484 : i32 to vector<16xi32>
      %add3A_486 = arith.addi %add3A_485, %and3A_483 : vector<16xi32>
      %jit3A_487 = arith.constant 20 : i32
      %broadcast_in_dim3A_488 = vector.broadcast %jit3A_487 : i32 to vector<16xi32>
      %select_n3A_489 = arith.select %ge3A_452, %add3A_486, %broadcast_in_dim3A_488 : vector<16xi1>, vector<16xi32>
      %select_n3A_490 = arith.select %and3A_449, %and3A_480, %select_n3A_489 : vector<16xi1>, vector<16xi32>
      %swap3A_491 = arith.index_cast %scan3A_106 : i32 to index
      %swap3A_492 = arith.constant 96 : index
      %swap3A_493 = tpu.vector_load %arg8[%swap3A_491, %swap3A_492] {strides = array<i32>} : memref<50x128xi32, #tpu.memory_space<vmem>>, vector<1x16xi32>,
      %swap3A_494 = vector.shape_cast %swap3A_493 : vector<1x16xi32> to vector<16xi32>
      %swap3A_495 = vector.shape_cast %select_n3A_490 : vector<16xi32> to vector<1x16xi32>
      tpu.vector_store %arg8[%swap3A_491, %swap3A_492], %swap3A_495 {strides = array<i32>} : memref<50x128xi32, #tpu.memory_space<vmem>>, vector<1x16xi32>,
      %get3A_496 = arith.index_cast %scan3A_106 : i32 to index
      %get3A_497 = arith.constant 112 : index
      %get3A_498 = tpu.vector_load %arg6[%get3A_496, %get3A_497] {strides = array<i32>} : memref<50x128xi32, #tpu.memory_space<vmem>>, vector<1x16xi32>,
      %get3A_499 = vector.shape_cast %get3A_498 : vector<1x16xi32> to vector<16xi32>
      %ge3A_500 = arith.constant 20000 : i32
      %ge3A_501 = vector.broadcast %ge3A_500 : i32 to vector<16xi32>
      %ge3A_502 = arith.cmpi sge, %get3A_499, %ge3A_501 : vector<16xi32>
      %lt3A_503 = arith.constant 200000 : i32
      %lt3A_504 = vector.broadcast %lt3A_503 : i32 to vector<16xi32>
      %lt3A_505 = arith.cmpi slt, %get3A_499, %lt3A_504 : vector<16xi32>
      %and3A_506 = arith.andi %ge3A_502, %lt3A_505 : vector<16xi1>
      %ge3A_507 = arith.constant 200000 : i32
      %ge3A_508 = vector.broadcast %ge3A_507 : i32 to vector<16xi32>
      %ge3A_509 = arith.cmpi sge, %get3A_499, %ge3A_508 : vector<16xi32>
      %sub3A_510 = arith.constant 20000 : i32
      %sub3A_511 = vector.broadcast %sub3A_510 : i32 to vector<16xi32>
      %sub3A_512 = arith.subi %get3A_499, %sub3A_511 : vector<16xi32>
      %sub3A_513 = arith.constant 200000 : i32
      %sub3A_514 = vector.broadcast %sub3A_513 : i32 to vector<16xi32>
      %sub3A_515 = arith.subi %get3A_499, %sub3A_514 : vector<16xi32>
      %shift_right_logical3A_516 = arith.constant 2 : i32
      %shift_right_logical3A_517 = vector.broadcast %shift_right_logical3A_516 : i32 to vector<16xi32>
      %shift_right_logical3A_518 = arith.shrui %sub3A_512, %shift_right_logical3A_517 : vector<16xi32>
      %add3A_519 = arith.constant 20000 : i32
      %add3A_520 = vector.broadcast %add3A_519 : i32 to vector<16xi32>
      %add3A_521 = arith.addi %add3A_520, %shift_right_logical3A_518 : vector<16xi32>
      %shift_right_logical3A_522 = arith.constant 4 : i32
      %shift_right_logical3A_523 = vector.broadcast %shift_right_logical3A_522 : i32 to vector<16xi32>
      %shift_right_logical3A_524 = arith.shrui %sub3A_515, %shift_right_logical3A_523 : vector<16xi32>
      %add3A_525 = arith.constant 65000 : i32
      %add3A_526 = vector.broadcast %add3A_525 : i32 to vector<16xi32>
      %add3A_527 = arith.addi %add3A_526, %shift_right_logical3A_524 : vector<16xi32>
      %select_n3A_528 = arith.select %ge3A_509, %add3A_527, %get3A_499 : vector<16xi1>, vector<16xi32>
      %select_n3A_529 = arith.select %and3A_506, %add3A_521, %select_n3A_528 : vector<16xi1>, vector<16xi32>
      %swap3A_530 = arith.index_cast %scan3A_106 : i32 to index
      %swap3A_531 = arith.constant 112 : index
      %swap3A_532 = tpu.vector_load %arg7[%swap3A_530, %swap3A_531] {strides = array<i32>} : memref<50x128xi32, #tpu.memory_space<vmem>>, vector<1x16xi32>,
      %swap3A_533 = vector.shape_cast %swap3A_532 : vector<1x16xi32> to vector<16xi32>
      %swap3A_534 = vector.shape_cast %select_n3A_529 : vector<16xi32> to vector<1x16xi32>
      tpu.vector_store %arg7[%swap3A_530, %swap3A_531], %swap3A_534 {strides = array<i32>} : memref<50x128xi32, #tpu.memory_space<vmem>>, vector<1x16xi32>,
      %and3A_535 = arith.constant 3 : i32
      %and3A_536 = vector.broadcast %and3A_535 : i32 to vector<16xi32>
      %and3A_537 = arith.andi %sub3A_512, %and3A_536 : vector<16xi32>
      %and3A_538 = arith.constant 15 : i32
      %and3A_539 = vector.broadcast %and3A_538 : i32 to vector<16xi32>
      %and3A_540 = arith.andi %sub3A_515, %and3A_539 : vector<16xi32>
      %add3A_541 = arith.constant 4 : i32
      %add3A_542 = vector.broadcast %add3A_541 : i32 to vector<16xi32>
      %add3A_543 = arith.addi %add3A_542, %and3A_540 : vector<16xi32>
      %jit3A_544 = arith.constant 20 : i32
      %broadcast_in_dim3A_545 = vector.broadcast %jit3A_544 : i32 to vector<16xi32>
      %select_n3A_546 = arith.select %ge3A_509, %add3A_543, %broadcast_in_dim3A_545 : vector<16xi1>, vector<16xi32>
      %select_n3A_547 = arith.select %and3A_506, %and3A_537, %select_n3A_546 : vector<16xi1>, vector<16xi32>
      %swap3A_548 = arith.index_cast %scan3A_106 : i32 to index
      %swap3A_549 = arith.constant 112 : index
      %swap3A_550 = tpu.vector_load %arg8[%swap3A_548, %swap3A_549] {strides = array<i32>} : memref<50x128xi32, #tpu.memory_space<vmem>>, vector<1x16xi32>,
      %swap3A_551 = vector.shape_cast %swap3A_550 : vector<1x16xi32> to vector<16xi32>
      %swap3A_552 = vector.shape_cast %select_n3A_547 : vector<16xi32> to vector<1x16xi32>
      tpu.vector_store %arg8[%swap3A_548, %swap3A_549], %swap3A_552 {strides = array<i32>} : memref<50x128xi32, #tpu.memory_space<vmem>>, vector<1x16xi32>,
    }
    %scan3A_7 = arith.constant 50 : i32
    "tpu.region"() ({
      %run_scoped3A = tpu.sem_alloc : memref<!tpu.dma_semaphore, #tpu.memory_space<semaphore_mem>>
      %dma_start3A_106 = arith.constant 0 : i32
      %dma_start3A_107 = arith.constant 0 : i32
      %dma_start3A_108 = tpu.memref_slice %arg5[%add3A, %dma_start3A_106, %dma_start3A_107] : memref<32x50x128xi32, #tpu.memory_space<hbm>> -> memref<1x50x128xi32, #tpu.memory_space<hbm>>
      %dma_start3A_109 = tpu.memref_squeeze %dma_start3A_108 : memref<1x50x128xi32, #tpu.memory_space<hbm>> -> memref<50x128xi32, #tpu.memory_space<hbm>>
      %dma_start3A_110 = arith.constant 0 : i32
      %dma_start3A_111 = arith.constant 0 : i32
      %dma_start3A_112 = tpu.memref_slice %arg5[%add3A, %dma_start3A_110, %dma_start3A_111] : memref<32x50x128xi32, #tpu.memory_space<hbm>> -> memref<1x50x128xi32, #tpu.memory_space<hbm>>
      %dma_start3A_113 = tpu.memref_squeeze %dma_start3A_112 : memref<1x50x128xi32, #tpu.memory_space<hbm>> -> memref<50x128xi32, #tpu.memory_space<hbm>>
      tpu.enqueue_dma source(%arg8 : memref<50x128xi32, #tpu.memory_space<vmem>>) target(%dma_start3A_113 : memref<50x128xi32, #tpu.memory_space<hbm>>) target_semaphore(%run_scoped3A : memref<!tpu.dma_semaphore, #tpu.memory_space<semaphore_mem>>)
      %dma_wait3A_114 = arith.constant 0 : i32
      %dma_wait3A_115 = arith.constant 0 : i32
      %dma_wait3A_116 = tpu.memref_slice %arg5[%add3A, %dma_wait3A_114, %dma_wait3A_115] : memref<32x50x128xi32, #tpu.memory_space<hbm>> -> memref<1x50x128xi32, #tpu.memory_space<hbm>>
      %dma_wait3A_117 = tpu.memref_squeeze %dma_wait3A_116 : memref<1x50x128xi32, #tpu.memory_space<hbm>> -> memref<50x128xi32, #tpu.memory_space<hbm>>
      %dma_wait3A_118 = arith.constant 0 : i32
      %dma_wait3A_119 = arith.constant 0 : i32
      %dma_wait3A_120 = tpu.memref_slice %arg5[%add3A, %dma_wait3A_118, %dma_wait3A_119] : memref<32x50x128xi32, #tpu.memory_space<hbm>> -> memref<1x50x128xi32, #tpu.memory_space<hbm>>
      %dma_wait3A_121 = tpu.memref_squeeze %dma_wait3A_120 : memref<1x50x128xi32, #tpu.memory_space<hbm>> -> memref<50x128xi32, #tpu.memory_space<hbm>>
      tpu.wait_dma2 semaphore(%run_scoped3A : memref<!tpu.dma_semaphore, #tpu.memory_space<semaphore_mem>>) src(%arg8 : memref<50x128xi32, #tpu.memory_space<vmem>>) dst(%dma_wait3A_121 : memref<50x128xi32, #tpu.memory_space<hbm>>)
      tpu.yield
    }) : () -> ()
    %dma_start3A = arith.constant 0 : i32
    %dma_start3A_8 = arith.constant 0 : i32
    %dma_start3A_9 = arith.constant 0 : i32
    %dma_start3A_10 = tpu.memref_slice %arg9[%dma_start3A_8, %dma_start3A_9] : memref<384x128xf32, #tpu.memory_space<vmem>> -> memref<128x128xf32, #tpu.memory_space<vmem>>
    %dma_start3A_11 = arith.constant 0 : i32
    %dma_start3A_12 = tpu.memref_slice %arg7[%dma_start3A, %dma_start3A_11] : memref<50x128xi32, #tpu.memory_space<vmem>> -> memref<1x128xi32, #tpu.memory_space<vmem>>
    %dma_start3A_13 = tpu.memref_squeeze %dma_start3A_12 : memref<1x128xi32, #tpu.memory_space<vmem>> -> memref<128xi32, #tpu.memory_space<vmem>>
    %dma_start3A_14 = arith.constant 0 : i32
    %dma_start3A_15 = arith.constant 0 : i32
    %dma_start3A_16 = tpu.memref_slice %arg3[%dma_start3A_14, %dma_start3A_15] : memref<115000x128xf32, #tpu.memory_space<hbm>> -> memref<115000x128xf32, #tpu.memory_space<hbm>>
    tpu.enqueue_indirect_dma source(%dma_start3A_16 : memref<115000x128xf32, #tpu.memory_space<hbm>>) target(%dma_start3A_10 : memref<128x128xf32, #tpu.memory_space<vmem>>) offsets(%dma_start3A_13 : memref<128xi32, #tpu.memory_space<vmem>>) semaphore(%arg11 : memref<!tpu.dma_semaphore, #tpu.memory_space<semaphore_mem>>)
    %dma_start3A_17 = arith.constant 1 : i32
    %dma_start3A_18 = arith.constant 128 : i32
    %dma_start3A_19 = arith.constant 0 : i32
    %dma_start3A_20 = tpu.memref_slice %arg9[%dma_start3A_18, %dma_start3A_19] : memref<384x128xf32, #tpu.memory_space<vmem>> -> memref<128x128xf32, #tpu.memory_space<vmem>>
    %dma_start3A_21 = arith.constant 0 : i32
    %dma_start3A_22 = tpu.memref_slice %arg7[%dma_start3A_17, %dma_start3A_21] : memref<50x128xi32, #tpu.memory_space<vmem>> -> memref<1x128xi32, #tpu.memory_space<vmem>>
    %dma_start3A_23 = tpu.memref_squeeze %dma_start3A_22 : memref<1x128xi32, #tpu.memory_space<vmem>> -> memref<128xi32, #tpu.memory_space<vmem>>
    %dma_start3A_24 = arith.constant 0 : i32
    %dma_start3A_25 = arith.constant 0 : i32
    %dma_start3A_26 = tpu.memref_slice %arg3[%dma_start3A_24, %dma_start3A_25] : memref<115000x128xf32, #tpu.memory_space<hbm>> -> memref<115000x128xf32, #tpu.memory_space<hbm>>
    tpu.enqueue_indirect_dma source(%dma_start3A_26 : memref<115000x128xf32, #tpu.memory_space<hbm>>) target(%dma_start3A_20 : memref<128x128xf32, #tpu.memory_space<vmem>>) offsets(%dma_start3A_23 : memref<128xi32, #tpu.memory_space<vmem>>) semaphore(%arg11 : memref<!tpu.dma_semaphore, #tpu.memory_space<semaphore_mem>>)
    %dma_start3A_27 = arith.constant 2 : i32
    %dma_start3A_28 = arith.constant 256 : i32
    %dma_start3A_29 = arith.constant 0 : i32
    %dma_start3A_30 = tpu.memref_slice %arg9[%dma_start3A_28, %dma_start3A_29] : memref<384x128xf32, #tpu.memory_space<vmem>> -> memref<128x128xf32, #tpu.memory_space<vmem>>
    %dma_start3A_31 = arith.constant 0 : i32
    %dma_start3A_32 = tpu.memref_slice %arg7[%dma_start3A_27, %dma_start3A_31] : memref<50x128xi32, #tpu.memory_space<vmem>> -> memref<1x128xi32, #tpu.memory_space<vmem>>
    %dma_start3A_33 = tpu.memref_squeeze %dma_start3A_32 : memref<1x128xi32, #tpu.memory_space<vmem>> -> memref<128xi32, #tpu.memory_space<vmem>>
    %dma_start3A_34 = arith.constant 0 : i32
    %dma_start3A_35 = arith.constant 0 : i32
    %dma_start3A_36 = tpu.memref_slice %arg3[%dma_start3A_34, %dma_start3A_35] : memref<115000x128xf32, #tpu.memory_space<hbm>> -> memref<115000x128xf32, #tpu.memory_space<hbm>>
    tpu.enqueue_indirect_dma source(%dma_start3A_36 : memref<115000x128xf32, #tpu.memory_space<hbm>>) target(%dma_start3A_30 : memref<128x128xf32, #tpu.memory_space<vmem>>) offsets(%dma_start3A_33 : memref<128xi32, #tpu.memory_space<vmem>>) semaphore(%arg11 : memref<!tpu.dma_semaphore, #tpu.memory_space<semaphore_mem>>)
    %scan3A_37 = arith.constant 0 : i32
    %scan3A_38 = arith.constant 0 : i32
    %scan3A_39 = arith.constant 8 : i32
    %scan3A_40 = arith.addi %scan3A_38, %scan3A_39 : i32
    %scan3A_41 = arith.constant 1 : i32
    scf.for %scan3A_106 = %scan3A_38 to %scan3A_40 step %scan3A_41  : i32 {
      %mul3A_107 = arith.constant 6 : i32
      %mul3A_108 = arith.muli %mul3A_107, %scan3A_106 : i32
      %add3A_109 = arith.constant 3 : i32
      %add3A_110 = arith.addi %mul3A_108, %add3A_109 : i32
      %dma_wait3A_111 = arith.constant 0 : i32
      %dma_wait3A_112 = arith.constant 0 : i32
      %dma_wait3A_113 = tpu.memref_slice %arg4[%dma_wait3A_111, %dma_wait3A_112] : memref<204800x128xf32, #tpu.memory_space<hbm>> -> memref<384x128xf32, #tpu.memory_space<hbm>>
      %dma_wait3A_114 = arith.constant 0 : i32
      %dma_wait3A_115 = arith.constant 0 : i32
      %dma_wait3A_116 = tpu.memref_slice %arg4[%dma_wait3A_114, %dma_wait3A_115] : memref<204800x128xf32, #tpu.memory_space<hbm>> -> memref<384x128xf32, #tpu.memory_space<hbm>>
      tpu.wait_dma2 semaphore(%arg11 : memref<!tpu.dma_semaphore, #tpu.memory_space<semaphore_mem>>) src(%dma_wait3A_116 : memref<384x128xf32, #tpu.memory_space<hbm>>) dst(%arg9 : memref<384x128xf32, #tpu.memory_space<vmem>>)
      %add3A_117 = arith.addi %mul3A_2, %mul3A_108 : i32
      %mul3A_118 = arith.constant 128 : i32
      %mul3A_119 = arith.muli %add3A_117, %mul3A_118 : i32
      %dma_start3A_120 = arith.constant 0 : i32
      %dma_start3A_121 = tpu.memref_slice %arg4[%mul3A_119, %dma_start3A_120] : memref<204800x128xf32, #tpu.memory_space<hbm>> -> memref<384x128xf32, #tpu.memory_space<hbm>>
      %dma_start3A_122 = arith.constant 0 : i32
      %dma_start3A_123 = tpu.memref_slice %arg4[%mul3A_119, %dma_start3A_122] : memref<204800x128xf32, #tpu.memory_space<hbm>> -> memref<384x128xf32, #tpu.memory_space<hbm>>
      tpu.enqueue_dma source(%arg9 : memref<384x128xf32, #tpu.memory_space<vmem>>) target(%dma_start3A_123 : memref<384x128xf32, #tpu.memory_space<hbm>>) target_semaphore(%arg13 : memref<!tpu.dma_semaphore, #tpu.memory_space<semaphore_mem>>)
      %gt3A = arith.constant 0 : i32
      %gt3A_124 = arith.cmpi sgt, %scan3A_106, %gt3A : i32
      %convert_element_type3A = arith.extui %gt3A_124 : i1 to i32
      %cond3A = arith.constant 0 : i32
      %cond3A_125 = arith.cmpi ne, %convert_element_type3A, %cond3A : i32
      scf.if %cond3A_125 {
        %dma_wait3A_182 = arith.constant 0 : i32
        %dma_wait3A_183 = arith.constant 0 : i32
        %dma_wait3A_184 = tpu.memref_slice %arg4[%dma_wait3A_182, %dma_wait3A_183] : memref<204800x128xf32, #tpu.memory_space<hbm>> -> memref<384x128xf32, #tpu.memory_space<hbm>>
        %dma_wait3A_185 = arith.constant 0 : i32
        %dma_wait3A_186 = arith.constant 0 : i32
        %dma_wait3A_187 = tpu.memref_slice %arg4[%dma_wait3A_185, %dma_wait3A_186] : memref<204800x128xf32, #tpu.memory_space<hbm>> -> memref<384x128xf32, #tpu.memory_space<hbm>>
        tpu.wait_dma2 semaphore(%arg14 : memref<!tpu.dma_semaphore, #tpu.memory_space<semaphore_mem>>) src(%arg10 : memref<384x128xf32, #tpu.memory_space<vmem>>) dst(%dma_wait3A_187 : memref<384x128xf32, #tpu.memory_space<hbm>>)
      } else {
      }
      %add3A_126 = arith.constant 0 : i32
      %add3A_127 = arith.addi %add3A_110, %add3A_126 : i32
      %dma_start3A_128 = arith.constant 0 : i32
      %dma_start3A_129 = arith.constant 0 : i32
      %dma_start3A_130 = tpu.memref_slice %arg10[%dma_start3A_128, %dma_start3A_129] : memref<384x128xf32, #tpu.memory_space<vmem>> -> memref<128x128xf32, #tpu.memory_space<vmem>>
      %dma_start3A_131 = arith.constant 0 : i32
      %dma_start3A_132 = tpu.memref_slice %arg7[%add3A_127, %dma_start3A_131] : memref<50x128xi32, #tpu.memory_space<vmem>> -> memref<1x128xi32, #tpu.memory_space<vmem>>
      %dma_start3A_133 = tpu.memref_squeeze %dma_start3A_132 : memref<1x128xi32, #tpu.memory_space<vmem>> -> memref<128xi32, #tpu.memory_space<vmem>>
      %dma_start3A_134 = arith.constant 0 : i32
      %dma_start3A_135 = arith.constant 0 : i32
      %dma_start3A_136 = tpu.memref_slice %arg3[%dma_start3A_134, %dma_start3A_135] : memref<115000x128xf32, #tpu.memory_space<hbm>> -> memref<115000x128xf32, #tpu.memory_space<hbm>>
      tpu.enqueue_indirect_dma source(%dma_start3A_136 : memref<115000x128xf32, #tpu.memory_space<hbm>>) target(%dma_start3A_130 : memref<128x128xf32, #tpu.memory_space<vmem>>) offsets(%dma_start3A_133 : memref<128xi32, #tpu.memory_space<vmem>>) semaphore(%arg12 : memref<!tpu.dma_semaphore, #tpu.memory_space<semaphore_mem>>)
      %add3A_137 = arith.constant 1 : i32
      %add3A_138 = arith.addi %add3A_110, %add3A_137 : i32
      %dma_start3A_139 = arith.constant 128 : i32
      %dma_start3A_140 = arith.constant 0 : i32
      %dma_start3A_141 = tpu.memref_slice %arg10[%dma_start3A_139, %dma_start3A_140] : memref<384x128xf32, #tpu.memory_space<vmem>> -> memref<128x128xf32, #tpu.memory_space<vmem>>
      %dma_start3A_142 = arith.constant 0 : i32
      %dma_start3A_143 = tpu.memref_slice %arg7[%add3A_138, %dma_start3A_142] : memref<50x128xi32, #tpu.memory_space<vmem>> -> memref<1x128xi32, #tpu.memory_space<vmem>>
      %dma_start3A_144 = tpu.memref_squeeze %dma_start3A_143 : memref<1x128xi32, #tpu.memory_space<vmem>> -> memref<128xi32, #tpu.memory_space<vmem>>
      %dma_start3A_145 = arith.constant 0 : i32
      %dma_start3A_146 = arith.constant 0 : i32
      %dma_start3A_147 = tpu.memref_slice %arg3[%dma_start3A_145, %dma_start3A_146] : memref<115000x128xf32, #tpu.memory_space<hbm>> -> memref<115000x128xf32, #tpu.memory_space<hbm>>
      tpu.enqueue_indirect_dma source(%dma_start3A_147 : memref<115000x128xf32, #tpu.memory_space<hbm>>) target(%dma_start3A_141 : memref<128x128xf32, #tpu.memory_space<vmem>>) offsets(%dma_start3A_144 : memref<128xi32, #tpu.memory_space<vmem>>) semaphore(%arg12 : memref<!tpu.dma_semaphore, #tpu.memory_space<semaphore_mem>>)
      %add3A_148 = arith.constant 2 : i32
      %add3A_149 = arith.addi %add3A_110, %add3A_148 : i32
      %dma_start3A_150 = arith.constant 256 : i32
      %dma_start3A_151 = arith.constant 0 : i32
      %dma_start3A_152 = tpu.memref_slice %arg10[%dma_start3A_150, %dma_start3A_151] : memref<384x128xf32, #tpu.memory_space<vmem>> -> memref<128x128xf32, #tpu.memory_space<vmem>>
      %dma_start3A_153 = arith.constant 0 : i32
      %dma_start3A_154 = tpu.memref_slice %arg7[%add3A_149, %dma_start3A_153] : memref<50x128xi32, #tpu.memory_space<vmem>> -> memref<1x128xi32, #tpu.memory_space<vmem>>
      %dma_start3A_155 = tpu.memref_squeeze %dma_start3A_154 : memref<1x128xi32, #tpu.memory_space<vmem>> -> memref<128xi32, #tpu.memory_space<vmem>>
      %dma_start3A_156 = arith.constant 0 : i32
      %dma_start3A_157 = arith.constant 0 : i32
      %dma_start3A_158 = tpu.memref_slice %arg3[%dma_start3A_156, %dma_start3A_157] : memref<115000x128xf32, #tpu.memory_space<hbm>> -> memref<115000x128xf32, #tpu.memory_space<hbm>>
      tpu.enqueue_indirect_dma source(%dma_start3A_158 : memref<115000x128xf32, #tpu.memory_space<hbm>>) target(%dma_start3A_152 : memref<128x128xf32, #tpu.memory_space<vmem>>) offsets(%dma_start3A_155 : memref<128xi32, #tpu.memory_space<vmem>>) semaphore(%arg12 : memref<!tpu.dma_semaphore, #tpu.memory_space<semaphore_mem>>)
      %dma_wait3A_159 = arith.constant 0 : i32
      %dma_wait3A_160 = arith.constant 0 : i32
      %dma_wait3A_161 = tpu.memref_slice %arg4[%dma_wait3A_159, %dma_wait3A_160] : memref<204800x128xf32, #tpu.memory_space<hbm>> -> memref<384x128xf32, #tpu.memory_space<hbm>>
      %dma_wait3A_162 = arith.constant 0 : i32
      %dma_wait3A_163 = arith.constant 0 : i32
      %dma_wait3A_164 = tpu.memref_slice %arg4[%dma_wait3A_162, %dma_wait3A_163] : memref<204800x128xf32, #tpu.memory_space<hbm>> -> memref<384x128xf32, #tpu.memory_space<hbm>>
      tpu.wait_dma2 semaphore(%arg12 : memref<!tpu.dma_semaphore, #tpu.memory_space<semaphore_mem>>) src(%dma_wait3A_164 : memref<384x128xf32, #tpu.memory_space<hbm>>) dst(%arg10 : memref<384x128xf32, #tpu.memory_space<vmem>>)
      %add3A_165 = arith.addi %mul3A_2, %add3A_110 : i32
      %mul3A_166 = arith.constant 128 : i32
      %mul3A_167 = arith.muli %add3A_165, %mul3A_166 : i32
      %dma_start3A_168 = arith.constant 0 : i32
      %dma_start3A_169 = tpu.memref_slice %arg4[%mul3A_167, %dma_start3A_168] : memref<204800x128xf32, #tpu.memory_space<hbm>> -> memref<384x128xf32, #tpu.memory_space<hbm>>
      %dma_start3A_170 = arith.constant 0 : i32
      %dma_start3A_171 = tpu.memref_slice %arg4[%mul3A_167, %dma_start3A_170] : memref<204800x128xf32, #tpu.memory_space<hbm>> -> memref<384x128xf32, #tpu.memory_space<hbm>>
      tpu.enqueue_dma source(%arg10 : memref<384x128xf32, #tpu.memory_space<vmem>>) target(%dma_start3A_171 : memref<384x128xf32, #tpu.memory_space<hbm>>) target_semaphore(%arg14 : memref<!tpu.dma_semaphore, #tpu.memory_space<semaphore_mem>>)
      %dma_wait3A_172 = arith.constant 0 : i32
      %dma_wait3A_173 = arith.constant 0 : i32
      %dma_wait3A_174 = tpu.memref_slice %arg4[%dma_wait3A_172, %dma_wait3A_173] : memref<204800x128xf32, #tpu.memory_space<hbm>> -> memref<384x128xf32, #tpu.memory_space<hbm>>
      %dma_wait3A_175 = arith.constant 0 : i32
      %dma_wait3A_176 = arith.constant 0 : i32
      %dma_wait3A_177 = tpu.memref_slice %arg4[%dma_wait3A_175, %dma_wait3A_176] : memref<204800x128xf32, #tpu.memory_space<hbm>> -> memref<384x128xf32, #tpu.memory_space<hbm>>
      tpu.wait_dma2 semaphore(%arg13 : memref<!tpu.dma_semaphore, #tpu.memory_space<semaphore_mem>>) src(%arg9 : memref<384x128xf32, #tpu.memory_space<vmem>>) dst(%dma_wait3A_177 : memref<384x128xf32, #tpu.memory_space<hbm>>)
      %lt3A = arith.constant 7 : i32
      %lt3A_178 = arith.cmpi slt, %scan3A_106, %lt3A : i32
      %convert_element_type3A_179 = arith.extui %lt3A_178 : i1 to i32
      %cond3A_180 = arith.constant 0 : i32
      %cond3A_181 = arith.cmpi ne, %convert_element_type3A_179, %cond3A_180 : i32
      scf.if %cond3A_181 {
        %add3A_182 = arith.constant 6 : i32
        %add3A_183 = arith.addi %mul3A_108, %add3A_182 : i32
        %add3A_184 = arith.constant 0 : i32
        %add3A_185 = arith.addi %add3A_183, %add3A_184 : i32
        %dma_start3A_186 = arith.constant 0 : i32
        %dma_start3A_187 = arith.constant 0 : i32
        %dma_start3A_188 = tpu.memref_slice %arg9[%dma_start3A_186, %dma_start3A_187] : memref<384x128xf32, #tpu.memory_space<vmem>> -> memref<128x128xf32, #tpu.memory_space<vmem>>
        %dma_start3A_189 = arith.constant 0 : i32
        %dma_start3A_190 = tpu.memref_slice %arg7[%add3A_185, %dma_start3A_189] : memref<50x128xi32, #tpu.memory_space<vmem>> -> memref<1x128xi32, #tpu.memory_space<vmem>>
        %dma_start3A_191 = tpu.memref_squeeze %dma_start3A_190 : memref<1x128xi32, #tpu.memory_space<vmem>> -> memref<128xi32, #tpu.memory_space<vmem>>
        %dma_start3A_192 = arith.constant 0 : i32
        %dma_start3A_193 = arith.constant 0 : i32
        %dma_start3A_194 = tpu.memref_slice %arg3[%dma_start3A_192, %dma_start3A_193] : memref<115000x128xf32, #tpu.memory_space<hbm>> -> memref<115000x128xf32, #tpu.memory_space<hbm>>
        tpu.enqueue_indirect_dma source(%dma_start3A_194 : memref<115000x128xf32, #tpu.memory_space<hbm>>) target(%dma_start3A_188 : memref<128x128xf32, #tpu.memory_space<vmem>>) offsets(%dma_start3A_191 : memref<128xi32, #tpu.memory_space<vmem>>) semaphore(%arg11 : memref<!tpu.dma_semaphore, #tpu.memory_space<semaphore_mem>>)
        %add3A_195 = arith.constant 1 : i32
        %add3A_196 = arith.addi %add3A_183, %add3A_195 : i32
        %dma_start3A_197 = arith.constant 128 : i32
        %dma_start3A_198 = arith.constant 0 : i32
        %dma_start3A_199 = tpu.memref_slice %arg9[%dma_start3A_197, %dma_start3A_198] : memref<384x128xf32, #tpu.memory_space<vmem>> -> memref<128x128xf32, #tpu.memory_space<vmem>>
        %dma_start3A_200 = arith.constant 0 : i32
        %dma_start3A_201 = tpu.memref_slice %arg7[%add3A_196, %dma_start3A_200] : memref<50x128xi32, #tpu.memory_space<vmem>> -> memref<1x128xi32, #tpu.memory_space<vmem>>
        %dma_start3A_202 = tpu.memref_squeeze %dma_start3A_201 : memref<1x128xi32, #tpu.memory_space<vmem>> -> memref<128xi32, #tpu.memory_space<vmem>>
        %dma_start3A_203 = arith.constant 0 : i32
        %dma_start3A_204 = arith.constant 0 : i32
        %dma_start3A_205 = tpu.memref_slice %arg3[%dma_start3A_203, %dma_start3A_204] : memref<115000x128xf32, #tpu.memory_space<hbm>> -> memref<115000x128xf32, #tpu.memory_space<hbm>>
        tpu.enqueue_indirect_dma source(%dma_start3A_205 : memref<115000x128xf32, #tpu.memory_space<hbm>>) target(%dma_start3A_199 : memref<128x128xf32, #tpu.memory_space<vmem>>) offsets(%dma_start3A_202 : memref<128xi32, #tpu.memory_space<vmem>>) semaphore(%arg11 : memref<!tpu.dma_semaphore, #tpu.memory_space<semaphore_mem>>)
        %add3A_206 = arith.constant 2 : i32
        %add3A_207 = arith.addi %add3A_183, %add3A_206 : i32
        %dma_start3A_208 = arith.constant 256 : i32
        %dma_start3A_209 = arith.constant 0 : i32
        %dma_start3A_210 = tpu.memref_slice %arg9[%dma_start3A_208, %dma_start3A_209] : memref<384x128xf32, #tpu.memory_space<vmem>> -> memref<128x128xf32, #tpu.memory_space<vmem>>
        %dma_start3A_211 = arith.constant 0 : i32
        %dma_start3A_212 = tpu.memref_slice %arg7[%add3A_207, %dma_start3A_211] : memref<50x128xi32, #tpu.memory_space<vmem>> -> memref<1x128xi32, #tpu.memory_space<vmem>>
        %dma_start3A_213 = tpu.memref_squeeze %dma_start3A_212 : memref<1x128xi32, #tpu.memory_space<vmem>> -> memref<128xi32, #tpu.memory_space<vmem>>
        %dma_start3A_214 = arith.constant 0 : i32
        %dma_start3A_215 = arith.constant 0 : i32
        %dma_start3A_216 = tpu.memref_slice %arg3[%dma_start3A_214, %dma_start3A_215] : memref<115000x128xf32, #tpu.memory_space<hbm>> -> memref<115000x128xf32, #tpu.memory_space<hbm>>
        tpu.enqueue_indirect_dma source(%dma_start3A_216 : memref<115000x128xf32, #tpu.memory_space<hbm>>) target(%dma_start3A_210 : memref<128x128xf32, #tpu.memory_space<vmem>>) offsets(%dma_start3A_213 : memref<128xi32, #tpu.memory_space<vmem>>) semaphore(%arg11 : memref<!tpu.dma_semaphore, #tpu.memory_space<semaphore_mem>>)
      } else {
      }
    }
    %scan3A_42 = arith.constant 8 : i32
    %dma_wait3A = arith.constant 0 : i32
    %dma_wait3A_43 = arith.constant 0 : i32
    %dma_wait3A_44 = tpu.memref_slice %arg4[%dma_wait3A, %dma_wait3A_43] : memref<204800x128xf32, #tpu.memory_space<hbm>> -> memref<384x128xf32, #tpu.memory_space<hbm>>
    %dma_wait3A_45 = arith.constant 0 : i32
    %dma_wait3A_46 = arith.constant 0 : i32
    %dma_wait3A_47 = tpu.memref_slice %arg4[%dma_wait3A_45, %dma_wait3A_46] : memref<204800x128xf32, #tpu.memory_space<hbm>> -> memref<384x128xf32, #tpu.memory_space<hbm>>
    tpu.wait_dma2 semaphore(%arg14 : memref<!tpu.dma_semaphore, #tpu.memory_space<semaphore_mem>>) src(%arg10 : memref<384x128xf32, #tpu.memory_space<vmem>>) dst(%dma_wait3A_47 : memref<384x128xf32, #tpu.memory_space<hbm>>)
    %dma_start3A_48 = arith.constant 48 : i32
    %dma_start3A_49 = arith.constant 0 : i32
    %dma_start3A_50 = arith.constant 0 : i32
    %dma_start3A_51 = tpu.memref_slice %arg9[%dma_start3A_49, %dma_start3A_50] : memref<384x128xf32, #tpu.memory_space<vmem>> -> memref<128x128xf32, #tpu.memory_space<vmem>>
    %dma_start3A_52 = arith.constant 0 : i32
    %dma_start3A_53 = tpu.memref_slice %arg7[%dma_start3A_48, %dma_start3A_52] : memref<50x128xi32, #tpu.memory_space<vmem>> -> memref<1x128xi32, #tpu.memory_space<vmem>>
    %dma_start3A_54 = tpu.memref_squeeze %dma_start3A_53 : memref<1x128xi32, #tpu.memory_space<vmem>> -> memref<128xi32, #tpu.memory_space<vmem>>
    %dma_start3A_55 = arith.constant 0 : i32
    %dma_start3A_56 = arith.constant 0 : i32
    %dma_start3A_57 = tpu.memref_slice %arg3[%dma_start3A_55, %dma_start3A_56] : memref<115000x128xf32, #tpu.memory_space<hbm>> -> memref<115000x128xf32, #tpu.memory_space<hbm>>
    tpu.enqueue_indirect_dma source(%dma_start3A_57 : memref<115000x128xf32, #tpu.memory_space<hbm>>) target(%dma_start3A_51 : memref<128x128xf32, #tpu.memory_space<vmem>>) offsets(%dma_start3A_54 : memref<128xi32, #tpu.memory_space<vmem>>) semaphore(%arg11 : memref<!tpu.dma_semaphore, #tpu.memory_space<semaphore_mem>>)
    %dma_start3A_58 = arith.constant 49 : i32
    %dma_start3A_59 = arith.constant 128 : i32
    %dma_start3A_60 = arith.constant 0 : i32
    %dma_start3A_61 = tpu.memref_slice %arg9[%dma_start3A_59, %dma_start3A_60] : memref<384x128xf32, #tpu.memory_space<vmem>> -> memref<128x128xf32, #tpu.memory_space<vmem>>
    %dma_start3A_62 = arith.constant 0 : i32
    %dma_start3A_63 = tpu.memref_slice %arg7[%dma_start3A_58, %dma_start3A_62] : memref<50x128xi32, #tpu.memory_space<vmem>> -> memref<1x128xi32, #tpu.memory_space<vmem>>
    %dma_start3A_64 = tpu.memref_squeeze %dma_start3A_63 : memref<1x128xi32, #tpu.memory_space<vmem>> -> memref<128xi32, #tpu.memory_space<vmem>>
    %dma_start3A_65 = arith.constant 0 : i32
    %dma_start3A_66 = arith.constant 0 : i32
    %dma_start3A_67 = tpu.memref_slice %arg3[%dma_start3A_65, %dma_start3A_66] : memref<115000x128xf32, #tpu.memory_space<hbm>> -> memref<115000x128xf32, #tpu.memory_space<hbm>>
    tpu.enqueue_indirect_dma source(%dma_start3A_67 : memref<115000x128xf32, #tpu.memory_space<hbm>>) target(%dma_start3A_61 : memref<128x128xf32, #tpu.memory_space<vmem>>) offsets(%dma_start3A_64 : memref<128xi32, #tpu.memory_space<vmem>>) semaphore(%arg11 : memref<!tpu.dma_semaphore, #tpu.memory_space<semaphore_mem>>)
    %dma_wait3A_68 = arith.constant 0 : i32
    %dma_wait3A_69 = arith.constant 0 : i32
    %dma_wait3A_70 = tpu.memref_slice %arg9[%dma_wait3A_68, %dma_wait3A_69] : memref<384x128xf32, #tpu.memory_space<vmem>> -> memref<256x128xf32, #tpu.memory_space<vmem>>
    %dma_wait3A_71 = arith.constant 0 : i32
    %dma_wait3A_72 = arith.constant 0 : i32
    %dma_wait3A_73 = tpu.memref_slice %arg4[%dma_wait3A_71, %dma_wait3A_72] : memref<204800x128xf32, #tpu.memory_space<hbm>> -> memref<256x128xf32, #tpu.memory_space<hbm>>
    %dma_wait3A_74 = arith.constant 0 : i32
    %dma_wait3A_75 = arith.constant 0 : i32
    %dma_wait3A_76 = tpu.memref_slice %arg9[%dma_wait3A_74, %dma_wait3A_75] : memref<384x128xf32, #tpu.memory_space<vmem>> -> memref<256x128xf32, #tpu.memory_space<vmem>>
    %dma_wait3A_77 = arith.constant 0 : i32
    %dma_wait3A_78 = arith.constant 0 : i32
    %dma_wait3A_79 = tpu.memref_slice %arg4[%dma_wait3A_77, %dma_wait3A_78] : memref<204800x128xf32, #tpu.memory_space<hbm>> -> memref<256x128xf32, #tpu.memory_space<hbm>>
    tpu.wait_dma2 semaphore(%arg11 : memref<!tpu.dma_semaphore, #tpu.memory_space<semaphore_mem>>) src(%dma_wait3A_79 : memref<256x128xf32, #tpu.memory_space<hbm>>) dst(%dma_wait3A_76 : memref<256x128xf32, #tpu.memory_space<vmem>>)
    %add3A_80 = arith.constant 48 : i32
    %add3A_81 = arith.addi %mul3A_2, %add3A_80 : i32
    %mul3A_82 = arith.constant 128 : i32
    %mul3A_83 = arith.muli %add3A_81, %mul3A_82 : i32
    %dma_start3A_84 = arith.constant 0 : i32
    %dma_start3A_85 = arith.constant 0 : i32
    %dma_start3A_86 = tpu.memref_slice %arg9[%dma_start3A_84, %dma_start3A_85] : memref<384x128xf32, #tpu.memory_space<vmem>> -> memref<256x128xf32, #tpu.memory_space<vmem>>
    %dma_start3A_87 = arith.constant 0 : i32
    %dma_start3A_88 = tpu.memref_slice %arg4[%mul3A_83, %dma_start3A_87] : memref<204800x128xf32, #tpu.memory_space<hbm>> -> memref<256x128xf32, #tpu.memory_space<hbm>>
    %dma_start3A_89 = arith.constant 0 : i32
    %dma_start3A_90 = tpu.memref_slice %arg4[%mul3A_83, %dma_start3A_89] : memref<204800x128xf32, #tpu.memory_space<hbm>> -> memref<256x128xf32, #tpu.memory_space<hbm>>
    %dma_start3A_91 = arith.constant 0 : i32
    %dma_start3A_92 = arith.constant 0 : i32
    %dma_start3A_93 = tpu.memref_slice %arg9[%dma_start3A_91, %dma_start3A_92] : memref<384x128xf32, #tpu.memory_space<vmem>> -> memref<256x128xf32, #tpu.memory_space<vmem>>
    tpu.enqueue_dma source(%dma_start3A_93 : memref<256x128xf32, #tpu.memory_space<vmem>>) target(%dma_start3A_90 : memref<256x128xf32, #tpu.memory_space<hbm>>) target_semaphore(%arg13 : memref<!tpu.dma_semaphore, #tpu.memory_space<semaphore_mem>>)
    %dma_wait3A_94 = arith.constant 0 : i32
    %dma_wait3A_95 = arith.constant 0 : i32
    %dma_wait3A_96 = tpu.memref_slice %arg9[%dma_wait3A_94, %dma_wait3A_95] : memref<384x128xf32, #tpu.memory_space<vmem>> -> memref<256x128xf32, #tpu.memory_space<vmem>>
    %dma_wait3A_97 = arith.constant 0 : i32
    %dma_wait3A_98 = arith.constant 0 : i32
    %dma_wait3A_99 = tpu.memref_slice %arg4[%dma_wait3A_97, %dma_wait3A_98] : memref<204800x128xf32, #tpu.memory_space<hbm>> -> memref<256x128xf32, #tpu.memory_space<hbm>>
    %dma_wait3A_100 = arith.constant 0 : i32
    %dma_wait3A_101 = arith.constant 0 : i32
    %dma_wait3A_102 = tpu.memref_slice %arg4[%dma_wait3A_100, %dma_wait3A_101] : memref<204800x128xf32, #tpu.memory_space<hbm>> -> memref<256x128xf32, #tpu.memory_space<hbm>>
    %dma_wait3A_103 = arith.constant 0 : i32
    %dma_wait3A_104 = arith.constant 0 : i32
    %dma_wait3A_105 = tpu.memref_slice %arg9[%dma_wait3A_103, %dma_wait3A_104] : memref<384x128xf32, #tpu.memory_space<vmem>> -> memref<256x128xf32, #tpu.memory_space<vmem>>
    tpu.wait_dma2 semaphore(%arg13 : memref<!tpu.dma_semaphore, #tpu.memory_space<semaphore_mem>>) src(%dma_wait3A_105 : memref<256x128xf32, #tpu.memory_space<vmem>>) dst(%dma_wait3A_102 : memref<256x128xf32, #tpu.memory_space<hbm>>)
    return
  }
}

module attributes {stable_mosaic.version = 14 : i64} {
  func.func @body(%arg0: i32, %arg1: memref<8192x128xf32, #tpu.memory_space<vmem>>, %arg2: memref<8192x1xi32, #tpu.memory_space<vmem>>, %arg3: memref<128x128xf32, #tpu.memory_space<vmem>>, %arg4: memref<128x128xf32, #tpu.memory_space<vmem>>, %arg5: memref<8192x128xf32, #tpu.memory_space<vmem>>) attributes {dimension_semantics = [#tpu.dimension_semantics<arbitrary>], iteration_bounds = array<i64: 25>, scalar_prefetch = 0 : i64, scratch_operands = 0 : i64, tpu.core_type = #tpu.core_type<tc>, window_params = [{transform_indices = @transform_0, window_bounds = array<i64: 8192, 128>}, {transform_indices = @transform_1, window_bounds = array<i64: 8192, 1>}, {pipeline_mode = #tpu.pipeline_mode<synchronous>, transform_indices = @transform_2, window_bounds = array<i64: 128, 128>}, {pipeline_mode = #tpu.pipeline_mode<synchronous>, transform_indices = @transform_3, window_bounds = array<i64: 128, 128>}, {transform_indices = @transform_4, window_bounds = array<i64: 8192, 128>}]} {
    %get3A = arith.constant 0 : index
    %get3A_0 = arith.constant 0 : index
    %get3A_1 = vector.load %arg1[%get3A, %get3A_0] : memref<8192x128xf32, #tpu.memory_space<vmem>>, vector<8192x128xf32>
    %get3A_2 = arith.constant 0 : index
    %get3A_3 = arith.constant 0 : index
    %get3A_4 = vector.load %arg2[%get3A_2, %get3A_3] : memref<8192x1xi32, #tpu.memory_space<vmem>>, vector<8192x1xi32>
    %iota3A = tpu.iota {dimensions = array<i32: 1>} : vector<8192x128xi32>
    %shift_right_logical3A = arith.constant 5 : i32
    %shift_right_logical3A_5 = vector.broadcast %shift_right_logical3A : i32 to vector<8192x128xi32>
    %shift_right_logical3A_6 = arith.shrui %iota3A, %shift_right_logical3A_5 : vector<8192x128xi32>
    %eq3A = vector.broadcast %get3A_4 : vector<8192x1xi32> to vector<8192x128xi32>
    %eq3A_7 = arith.cmpi eq, %eq3A, %shift_right_logical3A_6 : vector<8192x128xi32>
    %convert_element_type3A = arith.extui %eq3A_7 : vector<8192x128xi1> to vector<8192x128xi32>
    %convert_element_type3A_8 = arith.sitofp %convert_element_type3A : vector<8192x128xi32> to vector<8192x128xf32>
    %shift_right_logical3A_9 = arith.constant 3 : i32
    %shift_right_logical3A_10 = vector.broadcast %shift_right_logical3A_9 : i32 to vector<8192x128xi32>
    %shift_right_logical3A_11 = arith.shrui %iota3A, %shift_right_logical3A_10 : vector<8192x128xi32>
    %add3A = arith.constant 4 : i32
    %add3A_12 = vector.broadcast %add3A : i32 to vector<8192x128xi32>
    %add3A_13 = arith.addi %shift_right_logical3A_11, %add3A_12 : vector<8192x128xi32>
    %eq3A_14 = vector.broadcast %get3A_4 : vector<8192x1xi32> to vector<8192x128xi32>
    %eq3A_15 = arith.cmpi eq, %eq3A_14, %add3A_13 : vector<8192x128xi32>
    %convert_element_type3A_16 = arith.extui %eq3A_15 : vector<8192x128xi1> to vector<8192x128xi32>
    %convert_element_type3A_17 = arith.sitofp %convert_element_type3A_16 : vector<8192x128xi32> to vector<8192x128xf32>
    %eq3A_18 = arith.constant 20 : i32
    %eq3A_19 = vector.broadcast %eq3A_18 : i32 to vector<8192x1xi32>
    %eq3A_20 = arith.cmpi eq, %get3A_4, %eq3A_19 : vector<8192x1xi32>
    %convert_element_type3A_21 = arith.extui %eq3A_20 : vector<8192x1xi1> to vector<8192x1xi32>
    %convert_element_type3A_22 = arith.sitofp %convert_element_type3A_21 : vector<8192x1xi32> to vector<8192x1xf32>
    %mul3A = arith.mulf %get3A_1, %convert_element_type3A_8 : vector<8192x128xf32>
    %get3A_23 = arith.constant 0 : index
    %get3A_24 = arith.constant 0 : index
    %get3A_25 = vector.load %arg3[%get3A_23, %get3A_24] : memref<128x128xf32, #tpu.memory_space<vmem>>, vector<128x128xf32>
    %dot_general3A = arith.constant dense<0.000000e+00> : vector<8192x128xf32>
    %dot_general3A_26 = tpu.matmul %mul3A, %get3A_25, %dot_general3A {dimension_numbers = #tpu.dot_dimension_numbers<[1], [0], [0], [1], [0, 0, 1, 1], [], []>, transpose_lhs_hint = false} : vector<8192x128xf32>, vector<128x128xf32>, vector<8192x128xf32> -> vector<8192x128xf32>
    %mul3A_27 = arith.mulf %get3A_1, %convert_element_type3A_17 : vector<8192x128xf32>
    %get3A_28 = arith.constant 0 : index
    %get3A_29 = arith.constant 0 : index
    %get3A_30 = vector.load %arg4[%get3A_28, %get3A_29] : memref<128x128xf32, #tpu.memory_space<vmem>>, vector<128x128xf32>
    %dot_general3A_31 = arith.constant dense<0.000000e+00> : vector<8192x128xf32>
    %dot_general3A_32 = tpu.matmul %mul3A_27, %get3A_30, %dot_general3A_31 {dimension_numbers = #tpu.dot_dimension_numbers<[1], [0], [0], [1], [0, 0, 1, 1], [], []>, transpose_lhs_hint = false} : vector<8192x128xf32>, vector<128x128xf32>, vector<8192x128xf32> -> vector<8192x128xf32>
    %mul3A_33 = vector.broadcast %convert_element_type3A_22 : vector<8192x1xf32> to vector<8192x128xf32>
    %mul3A_34 = arith.mulf %get3A_1, %mul3A_33 : vector<8192x128xf32>
    %add3A_35 = arith.addf %mul3A_34, %dot_general3A_26 : vector<8192x128xf32>
    %add3A_36 = arith.addf %add3A_35, %dot_general3A_32 : vector<8192x128xf32>
    %swap3A = arith.constant 0 : index
    %swap3A_37 = arith.constant 0 : index
    %swap3A_38 = vector.load %arg5[%swap3A, %swap3A_37] : memref<8192x128xf32, #tpu.memory_space<vmem>>, vector<8192x128xf32>
    tpu.vector_store %arg5[%swap3A, %swap3A_37], %add3A_36 {strides = array<i32>} : memref<8192x128xf32, #tpu.memory_space<vmem>>, vector<8192x128xf32>,
    return
  }
  func.func @transform_0(%arg0: i32) -> (i32, i32) {
    %c0_i32 = arith.constant 0 : i32
    %c0_i32_0 = arith.constant 0 : i32
    return %arg0, %c0_i32 : i32, i32
  }
  func.func @transform_1(%arg0: i32) -> (i32, i32) {
    %c0_i32 = arith.constant 0 : i32
    %c0_i32_0 = arith.constant 0 : i32
    return %arg0, %c0_i32 : i32, i32
  }
  func.func @transform_2(%arg0: i32) -> (i32, i32) {
    %c0_i32 = arith.constant 0 : i32
    %c0_i32_0 = arith.constant 0 : i32
    %c0_i32_1 = arith.constant 0 : i32
    return %c0_i32, %c0_i32_0 : i32, i32
  }
  func.func @transform_3(%arg0: i32) -> (i32, i32) {
    %c0_i32 = arith.constant 0 : i32
    %c0_i32_0 = arith.constant 0 : i32
    %c0_i32_1 = arith.constant 0 : i32
    return %c0_i32, %c0_i32_0 : i32, i32
  }
  func.func @transform_4(%arg0: i32) -> (i32, i32) {
    %c0_i32 = arith.constant 0 : i32
    %c0_i32_0 = arith.constant 0 : i32
    return %arg0, %c0_i32 : i32, i32
  }
}

</mosaic_0001>

<sc_bundles>
// kernel: kernel.4.cloned.1.call-start
scs
__scs_entry_jumppad:
0x0: {  	(pc) =	sbr.rel $0x88, $3  }
0x1: {  	(tag) =	ssettag $0x0;
	lr =	simm.s32 $0x1  }
0x2: {  	[smem:$0x3F9B] =	sst lr;
	_ =	strace $0xD0000000  }
0x3: {  	_ = 	snop  }
0x4: {  	_ = 	snop  }
0x5: {  	_ = 	snop  }
0x6: {  	_ = 	snop  }
0x7: {  	_ = 	snop  }
__scs_overlays_trampoline_lowered:
0x8: {  	[smem:$0x3FAA] =	sst s0  }
0x9: {  	[smem:$0x3FAB] =	sst s1  }
0xa: {  	[smem:$0x3FAC] =	sst s2  }
0xb: {  	[smem:$0x3FAD] =	sst s3  }
0xc: {  	[smem:$0x3FAE] =	sst s4  }
0xd: {  	[smem:$0x3FAF] =	sst s5  }
0xe: {  	[smem:$0x3FB0] =	sst s6  }
0xf: {  	[smem:$0x3FB1] =	sst s7  }
0x10: {  	[smem:$0x3FB2] =	sst s8  }
0x11: {  	[smem:$0x3FB3] =	sst s9;
	s0 =	simm.s32 @!p0 $0x0  }
0x12: {  	s1 =	sld [smem:$0x3F99];
	s0 =	simm.s32 @p0 $0x1  }
0x13: {  	[smem:$0x3FB4] =	sst s0;
	s0 =	simm.s32 @!p1 $0x0  }
0x14: {  	s2 =	sld [smem:$0x3F98];
	s0 =	simm.s32 @p1 $0x1  }
0x15: {  	[smem:$0x3FB5] =	sst s0;
	s0 =	simm.s32 @!p2 $0x0  }
0x16: {  	s3 =	sld [smem:$0x3FDB];
	s0 =	simm.s32 @p2 $0x1  }
0x17: {  	s4 =	simm.s32 $0x1BF5;
	[smem:$0x3FB7] =	sst s0  }
0x18: {  	s0 =	sld [smem:$0x3F9A];
	_ =	swait.ge [sflag:s4], $0x0  }
0x19: {  	s7 =	sld [smem:$0x3F9B]  }
0x1a: {  	s8 =	sadd.s32 $0xFFFFE003, lr  }
0x1b: {  	s9 =	sadd.s32 $0xFFFFFEF7, lr;
	s5 =	simm.s32 $0xFFFFFFFF;
	p2 =	slt.u32 s8, $0xFFFFF086  }
0x1c: {  	p1 =	slt.u32 s9, $0xF7A;
	s5 =	simm.s32 @!p2 $0x0  }
0x1d: {  	s5 =	simm.s32 @p1 $0x1;
	p0 =	seq.s32 s7, s2  }
0x1e: {  	s7 =	smul.u32 @!p0 $0xF7A, s2;
	p2 =	seq.s32 @!p0 s5, $0x0  }
0x1f: {  	s9 =	smul.u32 $0xF7A, s1;
	s8 =	simm.s32 @!p0 $0x1BF5;
	p2 =	por !p2, p0  }
0x20: {  	[sflag:s8] =	ssyncset.s32 @!p0 $0xFFFFF086;
	s6 =	sadd.s32 @!p0 s3, s7;
	s7 =	simm.s32 @!p0 $0x108  }
0x21: {  	s3 =	sadd.s32 s3, s9;
	s6 =	sadd.s32 @!p0 $0x88, s6;
	s7 =	simm.s32 @p2 $0x1082  }
0x22: {  	[simem:s7], [sflag:s8] =	dma.local @!p0 [hbm:s6], $0xF7A  }
0x23: {  	s9 =	sor.u32 $0xD0000000, s2;
	s6 =	simm.s32 $0x108;
	_ =	swait.ge @!p0 [sflag:s8], $0x0  }
0x24: {  	s3 =	sadd.s32 $0x88, s3;
	s6 =	simm.s32 @!p1 $0x1082;
	[sflag:s4] =	ssyncset.s32 $0xFFFFF086  }
0x25: {  	[simem:s6], [sflag:s4] =	dma.local [hbm:s3], $0xF7A  }
0x26: {  	[smem:$0x3F9B] =	sst s1;
	(tag) =	ssettag s2;
	_ =	strace s9  }
0x27: {  	s1 =	sld [smem:$0x3FAB]  }
0x28: {  	s2 =	sld [smem:$0x3FAC]  }
0x29: {  	s4 =	sld [smem:$0x3FAE]  }
0x2a: {  	p0 =	seq.s32 s5, $0x0;
	s5 =	sld [smem:$0x3FAF]  }
0x2b: {  	s6 =	sld [smem:$0x3FB0]  }
0x2c: {  	s7 =	sld [smem:$0x3FB1]  }
0x2d: {  	s3 =	simm.s32 $0x108;
	s8 =	sld [smem:$0x3FB2]  }
0x2e: {  	s3 =	simm.s32 @!p0 $0x1082;
	s9 =	sld [smem:$0x3FB3]  }
0x2f: {  	lr =	sadd.s32 s0, s3;
	s0 =	sld [smem:$0x3FAA]  }
0x30: {  	s3 =	sld [smem:$0x3FAD]  }
0x31: {  	[smem:$0x3FB6] =	sst s10  }
0x32: {  	s10 =	sld [smem:$0x3FB4];
	_ =	sdelay $0x3  }
0x33: {  	p0 =	seq.s32 s10, $0x1;
	s10 =	sld [smem:$0x3FB6];
	_ =	sdelay $0x3  }
0x34: {  	[smem:$0x3FB6] =	sst s10  }
0x35: {  	s10 =	sld [smem:$0x3FB5];
	_ =	sdelay $0x3  }
0x36: {  	p1 =	seq.s32 s10, $0x1;
	s10 =	sld [smem:$0x3FB6];
	_ =	sdelay $0x3  }
0x37: {  	[smem:$0x3FB6] =	sst s10  }
0x38: {  	s10 =	sld [smem:$0x3FB7]  }
0x39: {  	_ = 	snop;
	(pc) =	sbr.ind lr, $3  }
0x3a: {  	_ = 	snop  }
0x3b: {  	_ = 	snop  }
0x3c: {  	p2 =	seq.s32 s10, $0x1;
	s10 =	sld [smem:$0x3FB6]  }
0x3d: {  	_ =	shalt  }
0x3e: {  	_ =	shalt  }
0x3f: {  	_ =	shalt  }
0x40: {  	_ =	shalt  }
0x41: {  	_ =	shalt  }
0x42: {  	_ =	shalt  }
0x43: {  	_ =	shalt  }
0x44: {  	_ =	shalt  }
0x45: {  	_ =	shalt  }
0x46: {  	_ =	shalt  }
0x47: {  	_ =	shalt  }
0x48: {  	_ =	shalt  }
0x49: {  	_ =	shalt  }
0x4a: {  	_ =	shalt  }
0x4b: {  	_ =	shalt  }
0x4c: {  	_ =	shalt  }
0x4d: {  	_ =	shalt  }
0x4e: {  	_ =	shalt  }
0x4f: {  	_ =	shalt  }
0x50: {  	_ =	shalt  }
0x51: {  	_ =	shalt  }
0x52: {  	_ =	shalt  }
0x53: {  	_ =	shalt  }
0x54: {  	_ =	shalt  }
0x55: {  	_ =	shalt  }
0x56: {  	_ =	shalt  }
0x57: {  	_ =	shalt  }
0x58: {  	_ =	shalt  }
0x59: {  	_ =	shalt  }
0x5a: {  	_ =	shalt  }
0x5b: {  	_ =	shalt  }
0x5c: {  	_ =	shalt  }
0x5d: {  	_ =	shalt  }
0x5e: {  	_ =	shalt  }
0x5f: {  	_ =	shalt  }
0x60: {  	_ =	shalt  }
0x61: {  	_ =	shalt  }
0x62: {  	_ =	shalt  }
0x63: {  	_ =	shalt  }
0x64: {  	_ =	shalt  }
0x65: {  	_ =	shalt  }
0x66: {  	_ =	shalt  }
0x67: {  	_ =	shalt  }
0x68: {  	_ =	shalt  }
0x69: {  	_ =	shalt  }
0x6a: {  	_ =	shalt  }
0x6b: {  	_ =	shalt  }
0x6c: {  	_ =	shalt  }
0x6d: {  	_ =	shalt  }
0x6e: {  	_ =	shalt  }
0x6f: {  	_ =	shalt  }
0x70: {  	_ =	shalt  }
0x71: {  	_ =	shalt  }
0x72: {  	_ =	shalt  }
0x73: {  	_ =	shalt  }
0x74: {  	_ =	shalt  }
0x75: {  	_ =	shalt  }
0x76: {  	_ =	shalt  }
0x77: {  	_ =	shalt  }
0x78: {  	_ =	shalt  }
0x79: {  	_ =	shalt  }
0x7a: {  	_ =	shalt  }
0x7b: {  	_ =	shalt  }
0x7c: {  	_ =	shalt  }
0x7d: {  	_ =	shalt  }
0x7e: {  	_ =	shalt  }
0x7f: {  	_ =	shalt  }
0x80: {  	_ =	shalt  }
0x81: {  	_ =	shalt  }
0x82: {  	_ =	shalt  }
0x83: {  	_ =	shalt  }
0x84: {  	_ =	shalt  }
0x85: {  	_ =	shalt  }
0x86: {  	_ =	shalt  }
0x87: {  	_ =	shalt  }
.Lfunc_end0:
.L_simem_size_0:
called_computation_lowered:
.L_overlay_start_0:
0x88: {  	s2 =	sld [smem:$0x3FD9]  }
0x89: {  	s3 =	sld [smem:$0x3FFE];
	_ =	sdelay $0x1  }
0x8a: {  	s1 =	srdreg.scid  }
0x8b: {  	s0 =	sand.u32 $0x1, s1  }
0x8c: {  	s17 =	sshll.u32 s0, $0xA;
	s2 =	sadd.s32 s3, s2  }
0x8d: {  	s2 =	sadd.s32 s2, s17  }
0x8e: {  	[smem:$0x3FC2] =	sst s2  }
0x8f: {  	_ = 	snop  }
0x90: {  	s2 =	sld [smem:$0x3FD0];
	(tm) =	ssettm $0x1  }
0x91: {  	s18 =	sld [smem:$0x3FFB];
	_ =	sdelay $0x3  }
0x92: {  	_ =	strace s18  }
0x93: {  	s3 =	sld [smem:$0x3FFC];
	_ =	sdelay $0x3  }
0x94: {  	_ =	strace s3  }
0x95: {  	s3 =	sld [smem:$0x3FFD];
	_ =	sdelay $0x3  }
0x96: {  	_ =	strace s3  }
0x97: {  	_ =	strace $0x8FFFFFFF  }
0x98: {  	s19 =	sld [smem:$0x3FDB];
	_ =	sdelay $0x1  }
0x99: {  	s4 =	simm.s32 $_scs_section_size  }
0x9a: {  	s5 =	simm.s32 $_size__tile_overlayer_lowered;
	s6 =	simm.s32 $_tile_overlayer_lowered  }
0x9b: {  	s22 =	simm.s32 $0x1BFF;
	s21 =	sshll.u32 s6, $0x1;
	s3 =	sadd.s32 s4, s19  }
0x9c: {  	s7 =	simm.s32 $0x0;
	s20 =	sshll.u32 s5, $0x1;
	s5 =	sadd.s32 s21, s3  }
0x9d: {  	[timem:s7], [sflag:s22] =	dma.local [hbm:s5], s20  }
0x9e: {  	_ =	swait.ge [sflag:s22], s20  }
0x9f: {  	s4 =	ssub.s32 $0x0, s20;
	[sflag:s22] =	ssyncset.done $0x0  }
0xa0: {  	[sflag:s22] =	ssyncadd.s32 s4;
	_ =	sdelay $0x1  }
0xa1: {  	s23 =	simm.s32 $0x1B8B  }
0xa2: {  	_ =	swait.ge [sflag:s23], $0x1  }
0xa3: {  	[sflag:s23] =	ssyncset.done $0x0  }
0xa4: {  	s25 =	simm.s32 $0x1B8E;
	s24 =	sld [smem:$0x3FFE];
	[sflag:s23] =	ssyncadd.s32 $0xFFFFFFFF  }
0xa5: {  	s26 =	simm.s32 $execute0_lowered;
	[smem:$0x3FD2] =	sst s25  }
0xa6: {  	s5 =	sshll.u32 s26, $0x1;
	_ =	strace $0x80000046;
	[dreg:$0x1] =	wrdreg $0xFFFFFFFF  }
0xa7: {  	s28 =	simm.s32 $_size_execute0_lowered;
	s3 =	sadd.s32 s3, s5;
	[dreg:$0x0] =	wrdreg $0x0  }
0xa8: {  	s5 =	sshll.u32 s28, $0x1;
	[dreg:$0x2] =	wrdreg s3  }
0xa9: {  	[dreg:$0x3] =	wrdreg s5  }
0xaa: {  	[dreg:$0x4] =	wrdreg $0xC0  }
0xab: {  	_ =	task [dreg:s7], $0x5FFFF  }
0xac: {  	[dreg:$0x1] =	wrdreg $0xFFFFFFFF  }
0xad: {  	[dreg:$0x0] =	wrdreg $0x60  }
0xae: {  	[dreg:$0x2] =	wrdreg s24  }
0xaf: {  	[dreg:$0x3] =	wrdreg s2  }
0xb0: {  	[dreg:$0x4] =	wrdreg $0x9  }
0xb1: {  	_ =	task.clear_ibuf [dreg:s7], $0x5FFFF;
	_ =	strace $0x90000046  }
0xb2: {  	s29 =	simm.s32 $0x9;
	_ =	strace $0x80000048  }
0xb3: {  	_ =	swait.ge [sflag:s29], $0x1  }
0xb4: {  	[sflag:s29] =	ssyncadd.s32 $0xFFFFFFFF  }
0xb5: {  	_ =	strace $0x90000048  }
0xb6: {  	_ =	sfence  }
0xb7: {  	s30 =	sld [smem:$0x0];
	_ =	sdelay $0x2  }
0xb8: {  	s31 =	sshll.u32 s1, $0xD;
	s1 =	sshrl.u32 s1, $0x2  }
0xb9: {  	s3 =	sand.u32 $0x4000, s31;
	s1 =	sadd.s32 s1, s30  }
0xba: {  	s0 =	sor.u32 s3, s0;
	s1 =	sshll.u32 s1, $0x11  }
0xbb: {  	s0 =	sor.u32 s1, s0  }
0xbc: {  	s0 =	sadd.s32 $0x8F2B, s0  }
0xbd: {  	[sflag:s0] =	ssyncadd.remote.s32 $0x1  }
0xbe: {  	_ =	sfence.sel $0xFFFF  }
0xbf: {  	[dreg:$0x0] =	wrdreg $0xFFFFFFFF;
	(pc) =	sbr.abs _section_cstart, $3  }
0xc0: {  	[dreg:$0x1] =	wrdreg $0xFFFFFFFF  }
0xc1: {  	_ =	task.clear_ibuf [dreg:s7], $0x2FFFF;
	_ =	strace $0x9FFFFFFF  }
0xc2: {  	(tm) =	ssettm $0x7FFFFFFF  }
0xc3: {  	_ =	shalt  }
tec
execute0_lowered:
.L_overlay_start_1:
0x0: {  	(tag) =	ssettag $0x1  }
0x1: {  	s0 =	rddreg [dreg:$0x0]  }
0x2: {  	s2 =	rddreg [dreg:$0x1];
	s1 =	srdreg.scid  }
0x3: {  	s13 =	stileid.u32;
	s3 =	simm.s32 $0x0;
	s14 =	simm.s32 $0x80  }
0x4: {  	s16 =	simm.s32 $0x5400;
	s18 =	simm.s32 $0x9400;
	s20 =	simm.s32 $0xD400  }
0x5: {  	s21 =	simm.s32 $0x1;
	s28 =	simm.s32 $0x19400;
	s29 =	simm.s32 $0x2  }
0x6: {  	s30 =	simm.s32 $0x3;
	s15 =	simm.s32 $0x3400;
	s11 =	smul.u32 $0x64, s13  }
0x7: {  	s17 =	simm.s32 $0x3480;
	s1 =	sand.u32 $0x1, s1;
	s25 =	smul.u32 $0x32000, s13  }
0x8: {  	s19 =	simm.s32 $0x0;
	s4 =	sshll.u32 s13, $0x1;
	s12 =	smul.u32 $0x32, s1  }
0x9: {  	s4 =	sor.u32 s1, s4;
	s6 =	ssub.s32 $0x2, s1;
	s1 =	smul.u32 $0x19000, s1  }
0xa: {  	[smem:$0x7FF] =	sst s3;
	s10 =	sadd.s32 $0xB7C00, s0;
	s5 =	smul.u32 $0x380, s4  }
0xb: {  	s13 =	simm.s32 $0x4;
	s7 =	smul.u32 $0xC8000, s4;
	s22 =	sshrl.u32 s6, $0x1  }
0xc: {  	_ =	strace $0x80000047;
	s8 =	smul.u32 $0x19000, s4;
	s9 =	ssub.s32 s6, s22  }
0xd: {  	s26 =	sadd.s32 s12, s11;
	s12 =	simm.s32 $0x5;
	s0 =	sadd.s32 s5, s0  }
0xe: {  	s23 =	sshrl.u32 s7, $0x3;
	s7 =	smax.u32 s9, $0x1;
	s8 =	sadd.s32 s10, s8  }
.Ltmp0:
0xf: {  	s11 =	sshll.u32 s26, $0xB;
	s4 =	sadd.s32 $0xB0C00, s0;
	(pc) =	sbr.rel .LBB2_1-.Ltmp0, $4  }
0x10: {  	s24 =	sadd.s32 s10, s23;
	s5 =	sadd.s32 $0xE00, s0;
	s0 =	sadd.s32 s25, s10  }
0x11: {  	s9 =	sadd.s32 $0x1800, s8;
	s31 =	sadd.s32 s10, s11;
	s23 =	simm.s32 $0x11400  }
0x12: {  	s25 =	simm.s32 $0x15400;
	s6 =	sadd.s32 $0x18000, s24;
	s0 =	sadd.s32 s1, s0  }
0x13: {  	s11 =	sadd.s32 $0x4800, s31;
	s1 =	simm.s32 $0x2000;
	s10 =	sadd.s32 $0x3000, s0  }
.LBB2_6:
0x14: {  	_ =	swait.ge [sflag:s13], $0xC000  }
0x15: {  	[sflag:s13] =	ssyncset.done $0x0  }
0x16: {  	[sflag:s13] =	ssyncadd.s32 $0xFFFF4000  }
0x17: {  	[tilespmem:s16], [sflag:$0x1] =	stream.indirect.gather [hbm4b:s2+s14], $0x80, s15, s14, $0xb8;
	[tilespmem:$0x1D400] =	vst v63  }
0x18: {  	_ = 	snop  }
0x19: {  	[tilespmem:s18], [sflag:$0x1] =	stream.indirect.gather [hbm4b:s2+s14], $0x80, s17, s14, $0xb8;
	[tilespmem:$0x1D400] =	vst v63  }
0x1a: {  	s19 =	sadd.s32 $0x1, s19;
	_ =	swait.ge [sflag:s21], $0x8000  }
0x1b: {  	p0 =	sne.s32 s19, s7;
	[sflag:s21] =	ssyncset.done $0x0  }
.Ltmp1:
0x1c: {  	[sflag:s21] =	ssyncadd.s32 $0xFFFF8000;
	(pc) =	sbr.rel @!p0 .LBB2_7-.Ltmp1, $4  }
0x1d: {  	[hbm4b:s6+s3] =	stream.linear.scatter [tilespmem:s16], [sflag:$0x3], $0x8000, $0x38;
	[tilespmem:$0x1D400] =	vst v63  }
0x1e: {  	_ =	swait.ge [sflag:s30], $0x8000  }
0x1f: {  	[sflag:s30] =	ssyncset.done $0x0  }
0x20: {  	[sflag:s30] =	ssyncadd.s32 $0xFFFF8000  }
.LBB2_1:
0x21: {  	[tilespmem:s3], [sflag:$0x5] =	stream.linear.gather [hbm4b:s4+s3], $0x1900, $0x38;
	[tilespmem:$0x1D400] =	vst v63  }
0x22: {  	_ =	swait.ge [sflag:s12], $0x1900  }
0x23: {  	[sflag:s12] =	ssyncset.done $0x0  }
0x24: {  	s22 =	simm.s32 $0x0;
	[sflag:s12] =	ssyncadd.s32 $0xFFFFE700  }
0x25: {  	v1 =	vld [tilespmem:s22+$0x70]  }
0x26: {  	v2 =	vld [tilespmem:s22+$0x0]  }
0x27: {  	v6 =	vld [tilespmem:s22+$0x40]  }
0x28: {  	v34 =	vld [tilespmem:s22+$0x50]  }
0x29: {  	v35 =	vld [tilespmem:s22+$0x60]  }
0x2a: {  	v3 =	vld [tilespmem:s22+$0x10]  }
0x2b: {  	v4 =	vld [tilespmem:s22+$0x20]  }
0x2c: {  	v5 =	vld [tilespmem:s22+$0x30];
	v7 =	vadd.s32 $0xFFFCF2C0, v1;
	v0 =	vand.u32 $0x3, v1;
	v8 =	vand.u32 $0xF, v1  }
0x2d: {  	v9 =	vadd.s32 $0xFFFCF2C0, v2;
	v10 =	vadd.s32 $0xFFFFB1E0, v1;
	vm1 =	vgt.s32 v1, $0x30D3F  }
0x2e: {  	v12 =	vadd.s32 $0xFFFCF2C0, v6;
	v13 =	vadd.s32 $0xFFFCF2C0, v34;
	v14 =	vadd.s32 $0xFFFCF2C0, v35  }
0x2f: {  	v15 =	vadd.s32 $0xFFFFB1E0, v2;
	v16 =	vand.u32 $0xF, v2;
	v22 =	vadd.s32 $0xFFFFB1E0, v3  }
0x30: {  	v17 =	vand.u32 $0xF, v3;
	v30 =	vadd.s32 $0xFFFFB1E0, v4;
	v18 =	vand.u32 $0xF, v4  }
0x31: {  	v31 =	vadd.s32 $0xFFFFB1E0, v5;
	v19 =	vand.u32 $0xF, v5;
	v32 =	vadd.s32 $0xFFFFB1E0, v6  }
0x32: {  	v20 =	vand.u32 $0xF, v6;
	v33 =	vadd.s32 $0xFFFFB1E0, v34;
	v21 =	vand.u32 $0xF, v34  }
0x33: {  	v36 =	vadd.s32 $0xFFFFB1E0, v35;
	v23 =	vand.u32 $0xF, v35;
	vm3 =	vgt.s32 v2, $0x30D3F  }
0x34: {  	vm4 =	vgt.s32 v3, $0x30D3F;
	vm5 =	vgt.s32 v4, $0x30D3F;
	vm6 =	vgt.s32 v5, $0x30D3F  }
0x35: {  	vm7 =	vgt.s32 v6, $0x30D3F;
	vm8 =	vgt.s32 v34, $0x30D3F;
	v7 =	vshrl.u32 v7, $0x4  }
0x36: {  	v11 =	vshrl.u32 v10, $0x2;
	vm0 =	vlt.u32 v10, $0x2BF20;
	v9 =	vshrl.u32 v9, $0x4  }
0x37: {  	v12 =	vshrl.u32 v12, $0x4;
	v13 =	vshrl.u32 v13, $0x4;
	v14 =	vshrl.u32 v14, $0x4  }
0x38: {  	v24 =	vshrl.u32 v15, $0x2;
	v16 =	vadd.s32 $0x4, v16;
	v25 =	vshrl.u32 v22, $0x2  }
0x39: {  	v17 =	vadd.s32 $0x4, v17;
	v27 =	vshrl.u32 v30, $0x2;
	v18 =	vadd.s32 $0x4, v18  }
0x3a: {  	v28 =	vshrl.u32 v31, $0x2;
	v29 =	vadd.s32 $0x4, v19;
	v37 =	vshrl.u32 v32, $0x2  }
0x3b: {  	v38 =	vadd.s32 $0x4, v20;
	v39 =	vshrl.u32 v33, $0x2;
	v21 =	vadd.s32 $0x4, v21  }
0x3c: {  	vm2 =	vlt.u32 v15, $0x2BF20;
	v40 =	vshrl.u32 v36, $0x2;
	v41 =	vadd.s32 $0x4, v23  }
0x3d: {  	v42 =	vadd.s32 $0x4, v8;
	v7 =	vadd.s32 $0xFDE8, v7;
	v10 =	vadd.s32 $0x4E20, v11  }
0x3e: {  	v11 =	vadd.s32 $0xFFFCF2C0, v4;
	v9 =	vadd.s32 $0xFDE8, v9;
	v12 =	vadd.s32 $0xFDE8, v12  }
0x3f: {  	v13 =	vadd.s32 $0xFDE8, v13;
	v14 =	vadd.s32 $0xFDE8, v14;
	v8 =	vnsel vm3, $0x14, v16  }
0x40: {  	v24 =	vadd.s32 $0x4E20, v24;
	v26 =	vadd.s32 $0x4E20, v25;
	v15 =	vnsel vm4, $0x14, v17  }
0x41: {  	v27 =	vadd.s32 $0x4E20, v27;
	v25 =	vadd.s32 $0x4E20, v28;
	v28 =	vadd.s32 $0x4E20, v37  }
0x42: {  	v17 =	vnsel vm7, $0x14, v38;
	v23 =	vadd.s32 $0x4E20, v40;
	v1 =	vsel vm1, v7, v1  }
0x43: {  	v7 =	vadd.s32 $0xFFFCF2C0, v3;
	v11 =	vshrl.u32 v11, $0x4;
	v19 =	vsel vm3, v9, v2  }
0x44: {  	vm3 =	vgt.s32 v35, $0x30D3F;
	v12 =	vsel vm7, v12, v6;
	vm7 =	vlt.u32 v22, $0x2BF20  }
0x45: {  	v22 =	vnsel vm1, $0x14, v42;
	vm1 =	vlt.u32 v32, $0x2BF20;
	v32 =	vand.u32 $0x3, v6  }
0x46: {  	v6 =	vand.u32 $0x3, v34;
	v1 =	vsel vm0, v10, v1;
	v10 =	vadd.s32 $0xFFFCF2C0, v5  }
0x47: {  	v7 =	vshrl.u32 v7, $0x4;
	v11 =	vadd.s32 $0xFDE8, v11;
	v9 =	vsel vm3, v14, v35  }
0x48: {  	v14 =	vnsel vm6, $0x14, v29;
	v29 =	vadd.s32 $0x4E20, v39;
	v10 =	vshrl.u32 v10, $0x4  }
0x49: {  	v7 =	vadd.s32 $0xFDE8, v7;
	v16 =	vsel vm5, v11, v4;
	v10 =	vadd.s32 $0xFDE8, v10  }
0x4a: {  	v20 =	vsel vm4, v7, v3;
	vm4 =	vlt.u32 v36, $0x2BF20;
	v7 =	vand.u32 $0x3, v35  }
0x4b: {  	v11 =	vsel vm6, v10, v5;
	v10 =	vsel vm8, v13, v34;
	v13 =	vnsel vm5, $0x14, v18  }
0x4c: {  	v18 =	vnsel vm8, $0x14, v21;
	v21 =	vnsel vm3, $0x14, v41;
	vm5 =	vlt.u32 v30, $0x2BF20  }
0x4d: {  	vm6 =	vlt.u32 v31, $0x2BF20;
	v31 =	vand.u32 $0x3, v2;
	vm3 =	vlt.u32 v33, $0x2BF20  }
0x4e: {  	s24 =	simm.s32 $0x80;
	s26 =	simm.s32 $0x400;
	[tilespmem:s22+$0x1C70] =	vst v1;
	v33 =	vand.u32 $0x3, v3;
	v30 =	vand.u32 $0x3, v4;
	v4 =	vand.u32 $0x3, v5  }
.LBB2_2:
0x4f: {  	p0 =	sne.s32 s26, $0x6200;
	v34 =	vld [tilespmem:s24+$0x70];
	v2 =	vsel vm2, v24, v19;
	v3 =	vsel vm7, v26, v20;
	v5 =	vsel vm5, v27, v16  }
0x50: {  	v11 =	vsel vm6, v25, v11;
	v12 =	vsel vm1, v28, v12;
	v10 =	vsel vm3, v29, v10;
	v1 =	vld [tilespmem:s24+$0x0];
	[tilespmem:s22+$0x1C00] =	vst v2  }
0x51: {  	v8 =	vsel vm2, v31, v8;
	v15 =	vsel vm7, v33, v15;
	v9 =	vsel vm4, v23, v9;
	v2 =	vld [tilespmem:s24+$0x10];
	[tilespmem:s22+$0x1C10] =	vst v3  }
0x52: {  	v13 =	vsel vm5, v30, v13;
	v14 =	vsel vm6, v4, v14;
	v16 =	vsel vm1, v32, v17;
	v3 =	vld [tilespmem:s24+$0x20];
	[tilespmem:s22+$0x1C20] =	vst v5  }
0x53: {  	v17 =	vsel vm4, v7, v21;
	v4 =	vld [tilespmem:s24+$0x30];
	[tilespmem:s22+$0x1C30] =	vst v11;
	v11 =	vsel vm3, v6, v18;
	v18 =	vsel vm0, v0, v22  }
0x54: {  	v5 =	vld [tilespmem:s24+$0x40];
	v7 =	vadd.s32 $0xFFFCF2C0, v34;
	v0 =	vand.u32 $0x3, v34;
	v19 =	vand.u32 $0xF, v34;
	[tilespmem:s22+$0x1C40] =	vst v12  }
0x55: {  	v20 =	vadd.s32 $0xFFFFB1E0, v34;
	v12 =	vadd.s32 $0xFFFCF2C0, v1;
	v6 =	vld [tilespmem:s24+$0x50];
	v21 =	vshrl.u32 v7, $0x4;
	[tilespmem:s22+$0x1C50] =	vst v10  }
0x56: {  	vm1 =	vgt.s32 v34, $0x30D3F;
	v10 =	vshrl.u32 v20, $0x2;
	v7 =	vld [tilespmem:s24+$0x60];
	v21 =	vadd.s32 $0xFDE8, v21;
	[tilespmem:s22+$0x1C60] =	vst v9  }
0x57: {  	vm0 =	vlt.u32 v20, $0x2BF20;
	v9 =	vadd.s32 $0x4E20, v10;
	v10 =	vsel vm1, v21, v34;
	[tilespmem:s22+$0x3800] =	vst v8  }
0x58: {  	v8 =	vadd.s32 $0xFFFCF2C0, v2;
	v20 =	vadd.s32 $0xFFFCF2C0, v3;
	v9 =	vsel vm0, v9, v10;
	[tilespmem:s22+$0x3810] =	vst v15  }
0x59: {  	v10 =	vshrl.u32 v12, $0x4;
	v12 =	vadd.s32 $0xFFFCF2C0, v4;
	v15 =	vadd.s32 $0xFFFCF2C0, v5;
	[tilespmem:s24+$0x1C70] =	vst v9  }
0x5a: {  	v8 =	vshrl.u32 v8, $0x4;
	v9 =	vshrl.u32 v20, $0x4;
	v20 =	vadd.s32 $0xFFFCF2C0, v6;
	[tilespmem:s22+$0x3820] =	vst v13  }
0x5b: {  	v12 =	vshrl.u32 v12, $0x4;
	v13 =	vshrl.u32 v15, $0x4;
	v15 =	vadd.s32 $0xFFFCF2C0, v7;
	[tilespmem:s22+$0x3830] =	vst v14  }
0x5c: {  	v22 =	vadd.s32 $0xFFFFB1E0, v1;
	v14 =	vshrl.u32 v20, $0x4;
	v15 =	vshrl.u32 v15, $0x4;
	[tilespmem:s22+$0x3840] =	vst v16  }
0x5d: {  	v30 =	vadd.s32 $0xFFFFB1E0, v2;
	v20 =	vand.u32 $0xF, v2;
	v16 =	vand.u32 $0xF, v1;
	[tilespmem:s22+$0x3850] =	vst v11  }
0x5e: {  	v31 =	vadd.s32 $0xFFFFB1E0, v3;
	v32 =	vadd.s32 $0xFFFFB1E0, v4;
	v11 =	vand.u32 $0xF, v3;
	[tilespmem:s22+$0x3860] =	vst v17  }
0x5f: {  	v33 =	vadd.s32 $0xFFFFB1E0, v5;
	v21 =	vand.u32 $0xF, v5;
	v17 =	vand.u32 $0xF, v4;
	[tilespmem:s22+$0x3870] =	vst v18;
	s22 =	smov.u32 s24  }
0x60: {  	v34 =	vadd.s32 $0xFFFFB1E0, v6;
	v35 =	vadd.s32 $0xFFFFB1E0, v7;
	v18 =	vand.u32 $0xF, v6  }
0x61: {  	v10 =	vadd.s32 $0xFDE8, v10;
	v8 =	vadd.s32 $0xFDE8, v8;
	v23 =	vand.u32 $0xF, v7  }
0x62: {  	v9 =	vadd.s32 $0xFDE8, v9;
	v12 =	vadd.s32 $0xFDE8, v12;
	v13 =	vadd.s32 $0xFDE8, v13  }
0x63: {  	v24 =	vshrl.u32 v22, $0x2;
	v14 =	vadd.s32 $0xFDE8, v14;
	v15 =	vadd.s32 $0xFDE8, v15  }
0x64: {  	v26 =	vshrl.u32 v30, $0x2;
	v27 =	vadd.s32 $0x4, v20;
	v25 =	vadd.s32 $0x4, v16  }
0x65: {  	v28 =	vshrl.u32 v31, $0x2;
	v36 =	vshrl.u32 v32, $0x2;
	v29 =	vadd.s32 $0x4, v11  }
0x66: {  	v37 =	vshrl.u32 v33, $0x2;
	v21 =	vadd.s32 $0x4, v21;
	v17 =	vadd.s32 $0x4, v17  }
0x67: {  	v38 =	vshrl.u32 v34, $0x2;
	v39 =	vshrl.u32 v35, $0x2;
	v18 =	vadd.s32 $0x4, v18  }
0x68: {  	vm2 =	vgt.s32 v1, $0x30D3F;
	v41 =	vadd.s32 $0x4, v19;
	v40 =	vadd.s32 $0x4, v23  }
0x69: {  	vm3 =	vgt.s32 v2, $0x30D3F;
	vm4 =	vgt.s32 v3, $0x30D3F;
	vm5 =	vgt.s32 v4, $0x30D3F  }
0x6a: {  	vm6 =	vgt.s32 v5, $0x30D3F;
	vm7 =	vgt.s32 v6, $0x30D3F;
	vm8 =	vgt.s32 v7, $0x30D3F  }
0x6b: {  	v19 =	vsel vm2, v10, v1;
	v20 =	vsel vm3, v8, v2;
	v16 =	vsel vm4, v9, v3  }
0x6c: {  	v10 =	vsel vm7, v14, v6;
	v11 =	vsel vm5, v12, v4;
	v12 =	vsel vm6, v13, v5  }
0x6d: {  	v24 =	vadd.s32 $0x4E20, v24;
	v8 =	vnsel vm2, $0x14, v25;
	v9 =	vsel vm8, v15, v7  }
0x6e: {  	v26 =	vadd.s32 $0x4E20, v26;
	v15 =	vnsel vm3, $0x14, v27;
	v27 =	vadd.s32 $0x4E20, v28  }
0x6f: {  	v25 =	vadd.s32 $0x4E20, v36;
	v13 =	vnsel vm4, $0x14, v29;
	v14 =	vnsel vm5, $0x14, v17  }
0x70: {  	v28 =	vadd.s32 $0x4E20, v37;
	v29 =	vadd.s32 $0x4E20, v38;
	v17 =	vnsel vm6, $0x14, v21  }
0x71: {  	v23 =	vadd.s32 $0x4E20, v39;
	v21 =	vnsel vm8, $0x14, v40;
	v18 =	vnsel vm7, $0x14, v18  }
.Ltmp2:
0x72: {  	vm2 =	vlt.u32 v22, $0x2BF20;
	v22 =	vnsel vm1, $0x14, v41;
	vm7 =	vlt.u32 v30, $0x2BF20;
	(pc) =	sbr.rel @p0 .LBB2_2-.Ltmp2, $4  }
0x73: {  	vm1 =	vlt.u32 v33, $0x2BF20;
	vm5 =	vlt.u32 v31, $0x2BF20;
	vm6 =	vlt.u32 v32, $0x2BF20  }
0x74: {  	vm3 =	vlt.u32 v34, $0x2BF20;
	vm4 =	vlt.u32 v35, $0x2BF20;
	v31 =	vand.u32 $0x3, v1  }
0x75: {  	v33 =	vand.u32 $0x3, v2;
	v4 =	vand.u32 $0x3, v4;
	v30 =	vand.u32 $0x3, v3  }
0x76: {  	v7 =	vand.u32 $0x3, v7;
	s24 =	sshra.s32 s26, $0x2;
	s26 =	sadd.s32 $0x200, s26;
	v6 =	vand.u32 $0x3, v6;
	v32 =	vand.u32 $0x3, v5  }
0x77: {  	v1 =	vld [tilespmem:s24+$0x70]  }
0x78: {  	v2 =	vsel vm2, v24, v19;
	v19 =	vld [tilespmem:s24+$0x0];
	v59 =	vsel vm7, v26, v20  }
0x79: {  	v60 =	vsel vm5, v27, v16;
	v3 =	vsel vm6, v25, v11;
	v61 =	vsel vm1, v28, v12  }
0x7a: {  	v10 =	vsel vm3, v29, v10;
	v8 =	vsel vm2, v31, v8;
	v62 =	vsel vm7, v33, v15  }
0x7b: {  	v9 =	vsel vm4, v23, v9;
	v13 =	vsel vm5, v30, v13;
	v14 =	vsel vm6, v4, v14  }
0x7c: {  	v63 =	vsel vm1, v32, v17;
	v6 =	vsel vm3, v6, v18;
	v7 =	vsel vm4, v7, v21;
	[tilespmem:s22+$0x1C00] =	vst v2  }
0x7d: {  	v11 =	vsel vm0, v0, v22;
	v5 =	vld [tilespmem:s24+$0x10];
	v32 =	vadd.s32 $0xFFFCF2C0, v1;
	v33 =	vadd.s32 $0xFFFCF2C0, v19  }
0x7e: {  	[tilespmem:s22+$0x1C10] =	vst v59;
	v34 =	vadd.s32 $0xFFFFB1E0, v1;
	vm0 =	vgt.s32 v1, $0x30D3F;
	v44 =	vadd.s32 $0xFFFFB1E0, v19  }
0x7f: {  	v16 =	vld [tilespmem:s24+$0x20];
	[tilespmem:s22+$0x1C20] =	vst v60;
	v45 =	vand.u32 $0xF, v19;
	vm12 =	vgt.s32 v19, $0x30D3F;
	v35 =	vshrl.u32 v32, $0x4  }
0x80: {  	v2 =	vld [tilespmem:s24+$0x30];
	[tilespmem:s22+$0x1C30] =	vst v3;
	v36 =	vshrl.u32 v34, $0x2;
	vm1 =	vlt.u32 v34, $0x2BF20;
	v17 =	vshrl.u32 v33, $0x4  }
0x81: {  	v3 =	vld [tilespmem:s24+$0x40];
	[tilespmem:s22+$0x1C40] =	vst v61;
	v26 =	vadd.s32 $0x4, v45;
	vm15 =	vlt.u32 v44, $0x2BF20;
	v45 =	vand.u32 $0x3, v19  }
0x82: {  	v0 =	vld [tilespmem:s24+$0x50];
	[tilespmem:s22+$0x1C50] =	vst v10;
	v20 =	vadd.s32 $0xFDE8, v35;
	v10 =	vadd.s32 $0x4E20, v36;
	v38 =	vadd.s32 $0xFFFCF2C0, v5  }
0x83: {  	v46 =	vadd.s32 $0xFFFFB1E0, v5;
	v47 =	vand.u32 $0xF, v5;
	v17 =	vadd.s32 $0xFDE8, v17  }
0x84: {  	v36 =	vshrl.u32 v44, $0x2;
	vm13 =	vgt.s32 v5, $0x30D3F;
	v61 =	vnsel vm12, $0x14, v26  }
0x85: {  	v37 =	vsel vm0, v20, v1;
	v39 =	vadd.s32 $0xFFFCF2C0, v16;
	v20 =	vshrl.u32 v38, $0x4  }
0x86: {  	v48 =	vadd.s32 $0xFFFFB1E0, v16;
	v49 =	vand.u32 $0xF, v16;
	v28 =	vadd.s32 $0x4, v47  }
0x87: {  	vm14 =	vgt.s32 v16, $0x30D3F;
	v54 =	vsel vm12, v17, v19;
	v60 =	vadd.s32 $0x4E20, v36  }
0x88: {  	vm9 =	vlt.u32 v46, $0x2BF20;
	v47 =	vsel vm15, v45, v61;
	v10 =	vsel vm1, v10, v37  }
0x89: {  	v40 =	vadd.s32 $0xFFFCF2C0, v2;
	v21 =	vshrl.u32 v39, $0x4;
	v50 =	vadd.s32 $0xFFFFB1E0, v2  }
0x8a: {  	v51 =	vand.u32 $0xF, v2;
	v20 =	vadd.s32 $0xFDE8, v20;
	v37 =	vshrl.u32 v46, $0x2  }
0x8b: {  	v38 =	vshrl.u32 v48, $0x2;
	v30 =	vadd.s32 $0x4, v49;
	vm8 =	vgt.s32 v2, $0x30D3F  }
0x8c: {  	v4 =	vld [tilespmem:s24+$0x60];
	[tilespmem:s22+$0x3800] =	vst v8;
	v36 =	vnsel vm13, $0x14, v28;
	v8 =	vsel vm15, v60, v54;
	vm10 =	vlt.u32 v48, $0x2BF20  }
0x8d: {  	v49 =	vand.u32 $0x3, v16;
	v41 =	vadd.s32 $0xFFFCF2C0, v3;
	v18 =	vshrl.u32 v40, $0x4  }
0x8e: {  	v52 =	vadd.s32 $0xFFFFB1E0, v3;
	v21 =	vadd.s32 $0xFDE8, v21;
	v39 =	vshrl.u32 v50, $0x2  }
0x8f: {  	[tilespmem:s22+$0x1C60] =	vst v9;
	v32 =	vadd.s32 $0x4, v51;
	vm4 =	vgt.s32 v3, $0x30D3F;
	v55 =	vsel vm13, v20, v5  }
0x90: {  	[tilespmem:s22+$0x3810] =	vst v62;
	vm12 =	vlt.u32 v50, $0x2BF20;
	v5 =	vand.u32 $0x3, v5;
	v54 =	vand.u32 $0xF, v3  }
0x91: {  	[tilespmem:s24+$0x1C70] =	vst v10;
	v42 =	vadd.s32 $0xFFFCF2C0, v0;
	v22 =	vshrl.u32 v41, $0x4;
	v34 =	vadd.s32 $0xFFFFB1E0, v0  }
0x92: {  	v18 =	vadd.s32 $0xFDE8, v18;
	v53 =	vshrl.u32 v52, $0x2;
	vm3 =	vgt.s32 v0, $0x30D3F;
	[tilespmem:s22+$0x3820] =	vst v13  }
0x93: {  	v56 =	vsel vm14, v21, v16;
	[tilespmem:s22+$0x3840] =	vst v63;
	v63 =	vadd.s32 $0x4E20, v37;
	v37 =	vadd.s32 $0x4E20, v38  }
0x94: {  	[tilespmem:s22+$0x3830] =	vst v14;
	v38 =	vnsel vm14, $0x14, v30;
	v39 =	vadd.s32 $0x4E20, v39;
	vm13 =	vlt.u32 v52, $0x2BF20  }
0x95: {  	[tilespmem:s22+$0x3870] =	vst v11;
	v5 =	vsel vm9, v5, v36;
	v11 =	vadd.s32 $0x4, v54;
	v43 =	vadd.s32 $0xFFFCF2C0, v4  }
0x96: {  	[tilespmem:s22+$0x3850] =	vst v6;
	v23 =	vshrl.u32 v42, $0x4;
	v35 =	vadd.s32 $0xFFFFB1E0, v4;
	v22 =	vadd.s32 $0xFDE8, v22  }
0x97: {  	[tilespmem:s22+$0x3860] =	vst v7;
	v40 =	vshrl.u32 v34, $0x2;
	vm2 =	vgt.s32 v4, $0x30D3F;
	v57 =	vsel vm8, v18, v2  }
0x98: {  	v42 =	vnsel vm8, $0x14, v32;
	v9 =	vadd.s32 $0x4E20, v53;
	v10 =	vsel vm9, v63, v55;
	[tilespmem:s24+$0x1C00] =	vst v8  }
0x99: {  	v6 =	vsel vm10, v37, v56;
	vm14 =	vlt.u32 v34, $0x2BF20;
	v51 =	vsel vm10, v49, v38;
	[tilespmem:s24+$0x3800] =	vst v47  }
0x9a: {  	v53 =	vand.u32 $0xF, v1;
	v55 =	vand.u32 $0xF, v0;
	v56 =	vand.u32 $0xF, v4;
	[tilespmem:s24+$0x3810] =	vst v5  }
0x9b: {  	v2 =	vand.u32 $0x3, v2;
	v24 =	vshrl.u32 v43, $0x4;
	v23 =	vadd.s32 $0xFDE8, v23;
	[tilespmem:s24+$0x1C10] =	vst v10  }
0x9c: {  	v41 =	vshrl.u32 v35, $0x2;
	v58 =	vsel vm4, v22, v3;
	v43 =	vadd.s32 $0x4E20, v40;
	[tilespmem:s24+$0x1C20] =	vst v6  }
0x9d: {  	v46 =	vsel vm12, v39, v57;
	vm15 =	vlt.u32 v35, $0x2BF20;
	v12 =	vadd.s32 $0x4, v55;
	[tilespmem:s24+$0x3820] =	vst v51  }
0x9e: {  	v57 =	vadd.s32 $0x4, v56;
	v3 =	vand.u32 $0x3, v3;
	v2 =	vsel vm12, v2, v42;
	[tilespmem:s24+$0x1C30] =	vst v46  }
0x9f: {  	v24 =	vadd.s32 $0xFDE8, v24;
	v59 =	vsel vm3, v23, v0;
	v48 =	vsel vm13, v9, v58;
	[tilespmem:s24+$0x3830] =	vst v2  }
0xa0: {  	v60 =	vnsel vm3, $0x14, v12;
	v0 =	vand.u32 $0x3, v0;
	v50 =	vsel vm14, v43, v59;
	[tilespmem:s24+$0x1C40] =	vst v48  }
0xa1: {  	v44 =	vadd.s32 $0x4E20, v41;
	v62 =	vsel vm2, v24, v4;
	v0 =	vsel vm14, v0, v60;
	[tilespmem:s24+$0x1C50] =	vst v50  }
0xa2: {  	v58 =	vadd.s32 $0x4, v53;
	v59 =	vnsel vm4, $0x14, v11;
	v52 =	vsel vm15, v44, v62;
	[tilespmem:s24+$0x3850] =	vst v0  }
0xa3: {  	v61 =	vnsel vm2, $0x14, v57;
	v4 =	vand.u32 $0x3, v4;
	v3 =	vsel vm13, v3, v59;
	[tilespmem:s24+$0x1C60] =	vst v52  }
0xa4: {  	v1 =	vand.u32 $0x3, v1;
	v62 =	vnsel vm0, $0x14, v58;
	v2 =	vsel vm15, v4, v61;
	[tilespmem:s24+$0x3840] =	vst v3  }
0xa5: {  	v63 =	vsel vm1, v1, v62;
	[tilespmem:s24+$0x3860] =	vst v2  }
0xa6: {  	s0 =	simm.s32 $0x3800;
	s22 =	simm.s32 $0x0;
	[tilespmem:s24+$0x3870] =	vst v63  }
0xa7: {  	[hbm4b:s5+s22] =	stream.linear.scatter [tilespmem:s0], [sflag:$0x5], $0x1900, $0x38;
	[tilespmem:$0x1D400] =	vst v63  }
0xa8: {  	_ =	swait.ge [sflag:s12], $0x1900  }
0xa9: {  	[sflag:s12] =	ssyncset.done $0x0  }
0xaa: {  	s26 =	simm.s32 $0x1C00;
	[sflag:s12] =	ssyncadd.s32 $0xFFFFE700  }
0xab: {  	[tilespmem:s16], [sflag:$0x1] =	stream.indirect.gather [hbm4b:s2+s14], $0x80, s26, s14, $0xb8;
	[tilespmem:$0x1D400] =	vst v63  }
0xac: {  	s31 =	simm.s32 $0x1C80  }
0xad: {  	[tilespmem:s18], [sflag:$0x1] =	stream.indirect.gather [hbm4b:s2+s14], $0x80, s31, s14, $0xb8;
	[tilespmem:$0x1D400] =	vst v63  }
0xae: {  	s24 =	simm.s32 $0x1D00  }
0xaf: {  	[tilespmem:s20], [sflag:$0x1] =	stream.indirect.gather [hbm4b:s2+s14], $0x80, s24, s14, $0xb8;
	[tilespmem:$0x1D400] =	vst v63  }
0xb0: {  	_ =	swait.ge [sflag:s21], $0xC000  }
0xb1: {  	[sflag:s21] =	ssyncset.done $0x0  }
0xb2: {  	[sflag:s21] =	ssyncadd.s32 $0xFFFF4000  }
0xb3: {  	[hbm4b:s8+s22] =	stream.linear.scatter [tilespmem:s16], [sflag:$0x3], $0xC000, $0x38;
	[tilespmem:$0x1D400] =	vst v63  }
0xb4: {  	s26 =	simm.s32 $0x1D80  }
0xb5: {  	[tilespmem:s23], [sflag:$0x2] =	stream.indirect.gather [hbm4b:s2+s14], $0x80, s26, s14, $0xb8;
	[tilespmem:$0x1D400] =	vst v63  }
0xb6: {  	s31 =	simm.s32 $0x1E00  }
0xb7: {  	[tilespmem:s25], [sflag:$0x2] =	stream.indirect.gather [hbm4b:s2+s14], $0x80, s31, s14, $0xb8;
	[tilespmem:$0x1D400] =	vst v63  }
0xb8: {  	s24 =	simm.s32 $0x1E80  }
0xb9: {  	[tilespmem:s28], [sflag:$0x2] =	stream.indirect.gather [hbm4b:s2+s14], $0x80, s24, s14, $0xb8;
	[tilespmem:$0x1D400] =	vst v63  }
0xba: {  	_ =	swait.ge [sflag:s29], $0xC000  }
0xbb: {  	[sflag:s29] =	ssyncset.done $0x0  }
0xbc: {  	[sflag:s29] =	ssyncadd.s32 $0xFFFF4000  }
0xbd: {  	[hbm4b:s9+s22] =	stream.linear.scatter [tilespmem:s23], [sflag:$0x4], $0xC000, $0x38;
	[tilespmem:$0x1D400] =	vst v63  }
0xbe: {  	_ =	swait.ge [sflag:s30], $0xC000  }
0xbf: {  	[sflag:s30] =	ssyncset.done $0x0  }
0xc0: {  	s26 =	simm.s32 $0x1F00;
	[sflag:s30] =	ssyncadd.s32 $0xFFFF4000  }
0xc1: {  	[tilespmem:s16], [sflag:$0x1] =	stream.indirect.gather [hbm4b:s2+s14], $0x80, s26, s14, $0xb8;
	[tilespmem:$0x1D400] =	vst v63  }
0xc2: {  	s31 =	simm.s32 $0x1F80  }
0xc3: {  	[tilespmem:s18], [sflag:$0x1] =	stream.indirect.gather [hbm4b:s2+s14], $0x80, s31, s14, $0xb8;
	[tilespmem:$0x1D400] =	vst v63  }
0xc4: {  	s24 =	smov.u32 s11;
	s26 =	smov.u32 s10  }
0xc5: {  	[tilespmem:s20], [sflag:$0x1] =	stream.indirect.gather [hbm4b:s2+s14], $0x80, s1, s14, $0xb8;
	[tilespmem:$0x1D400] =	vst v63  }
.LBB2_4:
0xc6: {  	_ =	swait.ge [sflag:s21], $0xC000  }
0xc7: {  	[sflag:s21] =	ssyncset.done $0x0  }
0xc8: {  	[sflag:s21] =	ssyncadd.s32 $0xFFFF4000  }
0xc9: {  	[hbm4b:s26+s3] =	stream.linear.scatter [tilespmem:s16], [sflag:$0x3], $0xC000, $0x38;
	[tilespmem:$0x1D400] =	vst v63  }
0xca: {  	_ =	swait.ge [sflag:s13], $0xC000  }
0xcb: {  	s31 =	sshra.s32 s22, $0x2;
	[sflag:s13] =	ssyncset.done $0x0  }
0xcc: {  	s0 =	sadd.s32 $0x2080, s31;
	[sflag:s13] =	ssyncadd.s32 $0xFFFF4000  }
0xcd: {  	[tilespmem:s23], [sflag:$0x2] =	stream.indirect.gather [hbm4b:s2+s14], $0x80, s0, s14, $0xb8;
	[tilespmem:$0x1D400] =	vst v63  }
0xce: {  	s0 =	sadd.s32 $0x2100, s31  }
0xcf: {  	[tilespmem:s25], [sflag:$0x2] =	stream.indirect.gather [hbm4b:s2+s14], $0x80, s0, s14, $0xb8;
	[tilespmem:$0x1D400] =	vst v63  }
0xd0: {  	s0 =	sadd.s32 $0x2180, s31  }
0xd1: {  	[tilespmem:s28], [sflag:$0x2] =	stream.indirect.gather [hbm4b:s2+s14], $0x80, s0, s14, $0xb8;
	[tilespmem:$0x1D400] =	vst v63  }
0xd2: {  	_ =	swait.ge [sflag:s29], $0xC000  }
0xd3: {  	p0 =	seq.s32 s22, $0x4800;
	[sflag:s29] =	ssyncset.done $0x0  }
.Ltmp3:
0xd4: {  	[sflag:s29] =	ssyncadd.s32 $0xFFFF4000;
	(pc) =	sbr.rel @p0 .LBB2_6-.Ltmp3, $4  }
0xd5: {  	[hbm4b:s24+s3] =	stream.linear.scatter [tilespmem:s23], [sflag:$0x4], $0xC000, $0x38;
	[tilespmem:$0x1D400] =	vst v63  }
0xd6: {  	_ =	swait.ge [sflag:s30], $0xC000  }
0xd7: {  	[sflag:s30] =	ssyncset.done $0x0  }
0xd8: {  	[sflag:s30] =	ssyncadd.s32 $0xFFFF4000  }
0xd9: {  	s0 =	sadd.s32 $0x2200, s31  }
0xda: {  	[tilespmem:s16], [sflag:$0x1] =	stream.indirect.gather [hbm4b:s2+s14], $0x80, s0, s14, $0xb8;
	[tilespmem:$0x1D400] =	vst v63  }
.Ltmp4:
0xdb: {  	_ = 	snop;
	(pc) =	sbr.rel .LBB2_4-.Ltmp4, $4  }
0xdc: {  	s22 =	sadd.s32 $0xC00, s22;
	s0 =	sadd.s32 $0x2280, s31  }
0xdd: {  	[tilespmem:s18], [sflag:$0x1] =	stream.indirect.gather [hbm4b:s2+s14], $0x80, s0, s14, $0xb8;
	[tilespmem:$0x1D400] =	vst v63  }
0xde: {  	s26 =	sadd.s32 $0x3000, s26;
	s24 =	sadd.s32 $0x3000, s24;
	s31 =	sadd.s32 $0x2300, s31  }
0xdf: {  	[tilespmem:s20], [sflag:$0x1] =	stream.indirect.gather [hbm4b:s2+s14], $0x80, s31, s14, $0xb8;
	[tilespmem:$0x1D400] =	vst v63  }
.LBB2_7:
0xe0: {  	_ =	sfence.sel $0x180000  }
0xe1: {  	[bflag:$0x0] =	sbarrier.arrive $0xFFFF  }
0xe2: {  	_ =	strace $0x90000047  }
0xe3: {  	s0 =	stileid.u32;
	[bflag:$0x2] =	sbarrier.arrive $0xFFFF  }
0xe4: {  	p0 =	sne.s32 s0, $0x0;
	s0 =	rddreg [dreg:$0x2]  }
0xe5: {  	s0 =	sadd.s32 @!p0 $0x100000, s0  }
0xe6: {  	[sflag:s0] =	ssyncadd.tile.s32 @!p0 $0x1;
	_ =	shalt  }
.Lfunc_end2:
_tile_overlayer_lowered:
.L_overlay_start_2:
0xe7: {  	(tag) =	ssettag $0x2  }
0xe8: {  	s0 =	rddreg [dreg:$0x0];
	s2 =	stileid.u32  }
0xe9: {  	s1 =	rddreg [dreg:$0x1];
	p0 =	sne.s32 s2, $0x0  }
0xea: {  	s3 =	rddreg [dreg:$0x2];
	[bflag:$0x3] =	sbarrier.arrive $0xFFFF;
	s2 =	simm.s32 @!p0 $0x1C05  }
0xeb: {  	[timem:s3], [sflag:s2] =	dma.local @!p0 [hbm:s0], s1  }
0xec: {  	s0 =	simm.s32 @!p0 $0x5  }
0xed: {  	_ =	swait.ge @!p0 [sflag:s0], s1  }
0xee: {  	s1 =	ssub.s32 @!p0 $0x0, s1;
	[sflag:s0] =	ssyncset.done @!p0 $0x0  }
0xef: {  	[sflag:s0] =	ssyncadd.s32 @!p0 s1  }
0xf0: {  	[bflag:$0x3] =	sbarrier.arrive $0xFFFF  }
0xf1: {  	_ =	shalt  }

</sc_bundles>
